<compile_context>
chip_gen: v7x
topology: tpu7x:2x2x1
jax: 0.10.2.dev20260603
libtpu: 0.0.44.dev20260713+nightly
codegen_flags: <defaults>
</compile_context>

<pallas_src>
import functools

import jax
import jax.numpy as jnp
from jax import lax
from jax.experimental import pallas as pl
from jax.experimental.pallas import tpu as pltpu
from jax.experimental.pallas import tpu_sc as plsc

SEQ_LEN = 2048
EMBED_DIM = 64
BATCH = 4
VOCAB = 1000000
B_TOT = BATCH * SEQ_LEN

NUM_CORES = 2
NUM_SUBCORES = 16
LANES = 16
NW = NUM_CORES * NUM_SUBCORES
BPW = B_TOT // NW
RING = 8
NGRP = BPW // RING

_mesh = plsc.VectorSubcoreMesh(core_axis_name="c", subcore_axis_name="s")


@functools.partial(
    pl.kernel,
    mesh=_mesh,
    out_type=jax.ShapeDtypeStruct((BATCH, EMBED_DIM, SEQ_LEN), jnp.float32),
    scratch_types=[
        pltpu.VMEM((BPW + LANES,), jnp.int32),
        pltpu.VMEM((RING, EMBED_DIM, 128), jnp.float32),
        pltpu.VMEM((EMBED_DIM, BPW), jnp.float32),
        [pltpu.SemaphoreType.DMA] * RING,
        pltpu.SemaphoreType.DMA,
    ],
    compiler_params=pltpu.CompilerParams(needs_layout_passes=False),
)
def _embed_sc(idx_hbm, tokt_hbm, post_hbm, out_hbm, idx_v, blk_v, slab_v,
              bsems, psem):
    wid = lax.axis_index("s") * NUM_CORES + lax.axis_index("c")
    base = wid * BPW
    batch = base // SEQ_LEN
    seq0 = lax.rem(base, SEQ_LEN)

    pltpu.sync_copy(idx_hbm.at[pl.ds(base, BPW)], idx_v.at[pl.ds(0, BPW)])
    pos_copy = pltpu.async_copy(
        post_hbm.at[:, pl.ds(seq0, BPW)], slab_v, psem)

    def _fire(r, v):
        vb = pl.multiple_of((v >> 7) << 7, 128)
        pltpu.async_copy(
            tokt_hbm.at[:, pl.ds(vb, 128)], blk_v.at[r], bsems[r])

    iv0 = idx_v[pl.ds(0, LANES)]
    for r in range(RING):
        _fire(r, iv0[r])
    pos_copy.wait()

    rows = [lax.iota(jnp.int32, LANES) + c * LANES
            for c in range(EMBED_DIM // LANES)]

    def _group(g, carry):
        ivc = idx_v[pl.ds(g * RING, LANES)]
        ivn = idx_v[pl.ds(g * RING + RING, LANES)]
        for r in range(RING):
            pltpu.make_async_copy(
                tokt_hbm.at[:, pl.ds(0, 128)], blk_v.at[r], bsems[r]).wait()
            j = g * RING + r
            ln = jnp.full((LANES,), ivc[r] & 127, dtype=jnp.int32)
            pj = jnp.full((LANES,), j, dtype=jnp.int32)
            toks = [plsc.load_gather(blk_v.at[r], [rows[c], ln])
                    for c in range(EMBED_DIM // LANES)]

            @pl.when(g < NGRP - 1)
            def _():
                _fire(r, ivn[r])

            for c in range(EMBED_DIM // LANES):
                plsc.addupdate_scatter(slab_v, [rows[c], pj], toks[c])

        return carry

    lax.fori_loop(0, NGRP, _group, 0)

    pltpu.sync_copy(slab_v, out_hbm.at[batch, :, pl.ds(seq0, BPW)])


def kernel(inputs, token_table, pos_table):
    flat = inputs.reshape(B_TOT)
    out = _embed_sc(flat, token_table.T, pos_table.T)
    return out.transpose(0, 2, 1)

# --- scband reference (transcript-rebuilt; emitter-appended) ---
"""Pipeline reference for scband-positional-embedding-35278861369689 (READ-ONLY COPY).

The authoritative reference and input builder live on the scoring server;
editing this copy changes nothing except your own understanding.
"""

import jax, jax.numpy as jnp
import numpy as np

VOCAB_SIZE = 1000000
SEQ_LEN = 2048
EMBED_DIM = 64
BATCH = 4


def setup_inputs(seed: int = 0) -> dict:
    key = jax.random.key(seed)
    k1, k2, k3 = jax.random.split(key, 3)
    inputs = jax.random.randint(k1, (BATCH, SEQ_LEN), 0, VOCAB_SIZE, dtype=jnp.int32)
    token_table = jax.random.normal(k2, (VOCAB_SIZE, EMBED_DIM), dtype=jnp.float32) * 0.02
    pos_table = jax.random.normal(k3, (SEQ_LEN, EMBED_DIM), dtype=jnp.float32) * 0.02
    return {"inputs": inputs, "token_table": token_table, "pos_table": pos_table}


def reference(inputs, token_table, pos_table):
    length = inputs.shape[-1]
    positions = jnp.arange(0, length)
    tok_emb = jnp.take(token_table, inputs, axis=0)
    pos_emb = jnp.take(pos_table, positions, axis=0)
    return tok_emb + pos_emb

if __name__ == "__main__":
    import jax
    _d = setup_inputs()
    print(jax.jit(kernel)(*tuple(_d.values())))

</pallas_src>

<mosaic_0001>
#map = affine_map<(d0, d1) -> (0)>
#map1 = affine_map<(d0, d1) -> (0, 0)>
#map2 = affine_map<(d0, d1) -> (0, 0, 0)>
module attributes {stable_mosaic.version = 14 : i64} {
  func.func @_embed_sc(%arg0: i32, %arg1: i32, %arg2: memref<8192xi32, #tpu.memory_space<hbm>>, %arg3: memref<64x1000000xf32, #tpu.memory_space<hbm>>, %arg4: memref<64x2048xf32, #tpu.memory_space<hbm>>, %arg5: memref<4x64x2048xf32, #tpu.memory_space<hbm>>, %arg6: memref<272xi32, #tpu.memory_space<vmem>>, %arg7: memref<8x64x128xf32, #tpu.memory_space<vmem>>, %arg8: memref<64x256xf32, #tpu.memory_space<vmem>>, %arg9: memref<!tpu.dma_semaphore, #tpu.memory_space<semaphore_mem>>, %arg10: memref<!tpu.dma_semaphore, #tpu.memory_space<semaphore_mem>>, %arg11: memref<!tpu.dma_semaphore, #tpu.memory_space<semaphore_mem>>, %arg12: memref<!tpu.dma_semaphore, #tpu.memory_space<semaphore_mem>>, %arg13: memref<!tpu.dma_semaphore, #tpu.memory_space<semaphore_mem>>, %arg14: memref<!tpu.dma_semaphore, #tpu.memory_space<semaphore_mem>>, %arg15: memref<!tpu.dma_semaphore, #tpu.memory_space<semaphore_mem>>, %arg16: memref<!tpu.dma_semaphore, #tpu.memory_space<semaphore_mem>>, %arg17: memref<!tpu.dma_semaphore, #tpu.memory_space<semaphore_mem>>) attributes {dimension_semantics = [#tpu.dimension_semantics<core_parallel>, #tpu.dimension_semantics<subcore_parallel>], iteration_bounds = array<i64: 2, 16>, scalar_prefetch = 0 : i64, scratch_operands = 12 : i64, tpu.core_type = #tpu.core_type<sc_vector_subcore>, window_params = [{transform_indices = #map}, {transform_indices = #map1}, {transform_indices = #map1}, {transform_indices = #map2}]} {
    %mul3A = arith.constant 2 : i32
    %mul3A_0 = arith.muli %arg1, %mul3A : i32
    %add3A = arith.addi %mul3A_0, %arg0 : i32
    %mul3A_1 = arith.constant 256 : i32
    %mul3A_2 = arith.muli %add3A, %mul3A_1 : i32
    %jit3A = arith.constant 2048 : i32
    %div3A = arith.divsi %mul3A_2, %jit3A : i32
    %sign3A = arith.constant 0 : i32
    %sign3A_3 = arith.cmpi sgt, %mul3A_2, %sign3A : i32
    %sign3A_4 = arith.extui %sign3A_3 : i1 to i32
    %sign3A_5 = arith.constant 0 : i32
    %sign3A_6 = arith.cmpi slt, %mul3A_2, %sign3A_5 : i32
    %sign3A_7 = arith.extui %sign3A_6 : i1 to i32
    %sign3A_8 = arith.subi %sign3A_4, %sign3A_7 : i32
    %sign3A_9 = arith.constant 0 : i32
    %sign3A_10 = arith.cmpi sgt, %jit3A, %sign3A_9 : i32
    %sign3A_11 = arith.extui %sign3A_10 : i1 to i32
    %sign3A_12 = arith.constant 0 : i32
    %sign3A_13 = arith.cmpi slt, %jit3A, %sign3A_12 : i32
    %sign3A_14 = arith.extui %sign3A_13 : i1 to i32
    %sign3A_15 = arith.subi %sign3A_11, %sign3A_14 : i32
    %ne3A = arith.cmpi ne, %sign3A_8, %sign3A_15 : i32
    %rem3A = arith.remsi %mul3A_2, %jit3A : i32
    %ne3A_16 = arith.constant 0 : i32
    %ne3A_17 = arith.cmpi ne, %rem3A, %ne3A_16 : i32
    %and3A = arith.andi %ne3A, %ne3A_17 : i1
    %sub3A = arith.constant 1 : i32
    %sub3A_18 = arith.subi %div3A, %sub3A : i32
    %select_n3A = arith.select %and3A, %sub3A_18, %div3A : i32
    %rem3A_19 = arith.constant 2048 : i32
    %rem3A_20 = arith.remsi %mul3A_2, %rem3A_19 : i32
    "tpu.region"() ({
      %run_scoped3A = tpu.sem_alloc : memref<!tpu.dma_semaphore, #tpu.memory_space<semaphore_mem>>
      %dma_start3A_203 = arith.constant 0 : i32
      %dma_start3A_204 = tpu.memref_slice %arg6[%dma_start3A_203] : memref<272xi32, #tpu.memory_space<vmem>> -> memref<256xi32, #tpu.memory_space<vmem>>
      %dma_start3A_205 = tpu.memref_slice %arg2[%mul3A_2] : memref<8192xi32, #tpu.memory_space<hbm>> -> memref<256xi32, #tpu.memory_space<hbm>>
      %dma_start3A_206 = arith.constant 0 : i32
      %dma_start3A_207 = tpu.memref_slice %arg6[%dma_start3A_206] : memref<272xi32, #tpu.memory_space<vmem>> -> memref<256xi32, #tpu.memory_space<vmem>>
      %dma_start3A_208 = tpu.memref_slice %arg2[%mul3A_2] : memref<8192xi32, #tpu.memory_space<hbm>> -> memref<256xi32, #tpu.memory_space<hbm>>
      tpu.enqueue_dma source(%dma_start3A_208 : memref<256xi32, #tpu.memory_space<hbm>>) target(%dma_start3A_207 : memref<256xi32, #tpu.memory_space<vmem>>) target_semaphore(%run_scoped3A : memref<!tpu.dma_semaphore, #tpu.memory_space<semaphore_mem>>)
      %dma_wait3A_209 = arith.constant 0 : i32
      %dma_wait3A_210 = tpu.memref_slice %arg6[%dma_wait3A_209] : memref<272xi32, #tpu.memory_space<vmem>> -> memref<256xi32, #tpu.memory_space<vmem>>
      %dma_wait3A_211 = tpu.memref_slice %arg2[%mul3A_2] : memref<8192xi32, #tpu.memory_space<hbm>> -> memref<256xi32, #tpu.memory_space<hbm>>
      %dma_wait3A_212 = arith.constant 0 : i32
      %dma_wait3A_213 = tpu.memref_slice %arg6[%dma_wait3A_212] : memref<272xi32, #tpu.memory_space<vmem>> -> memref<256xi32, #tpu.memory_space<vmem>>
      %dma_wait3A_214 = tpu.memref_slice %arg2[%mul3A_2] : memref<8192xi32, #tpu.memory_space<hbm>> -> memref<256xi32, #tpu.memory_space<hbm>>
      tpu.wait_dma2 semaphore(%run_scoped3A : memref<!tpu.dma_semaphore, #tpu.memory_space<semaphore_mem>>) src(%dma_wait3A_214 : memref<256xi32, #tpu.memory_space<hbm>>) dst(%dma_wait3A_213 : memref<256xi32, #tpu.memory_space<vmem>>)
      tpu.yield
    }) : () -> ()
    %dma_start3A = arith.constant 0 : i32
    %dma_start3A_21 = tpu.memref_slice %arg4[%dma_start3A, %rem3A_20] : memref<64x2048xf32, #tpu.memory_space<hbm>> -> memref<64x256xf32, #tpu.memory_space<hbm>>
    %dma_start3A_22 = arith.constant 0 : i32
    %dma_start3A_23 = tpu.memref_slice %arg4[%dma_start3A_22, %rem3A_20] : memref<64x2048xf32, #tpu.memory_space<hbm>> -> memref<64x256xf32, #tpu.memory_space<hbm>>
    tpu.enqueue_dma source(%dma_start3A_23 : memref<64x256xf32, #tpu.memory_space<hbm>>) target(%arg8 : memref<64x256xf32, #tpu.memory_space<vmem>>) target_semaphore(%arg17 : memref<!tpu.dma_semaphore, #tpu.memory_space<semaphore_mem>>)
    %get3A = arith.constant 0 : index
    %get3A_24 = tpu.vector_load %arg6[%get3A] {strides = array<i32>} : memref<272xi32, #tpu.memory_space<vmem>>, vector<16xi32>,
    %slice3A = vector.extract_strided_slice %get3A_24 {offsets = [0], sizes = [1], strides = [1]} : vector<16xi32> to vector<1xi32>
    %squeeze3A = vector.extract %slice3A[0] : i32 from vector<1xi32>
    %shift_right_arithmetic3A = arith.constant 7 : i32
    %shift_right_arithmetic3A_25 = arith.shrsi %squeeze3A, %shift_right_arithmetic3A : i32
    %shift_left3A = arith.constant 7 : i32
    %shift_left3A_26 = arith.shli %shift_right_arithmetic3A_25, %shift_left3A : i32
    %multiple_of3A = tpu.assume_multiple %shift_left3A_26, 128 : i32
    %dma_start3A_27 = arith.constant 0 : i32
    %dma_start3A_28 = arith.constant 0 : i32
    %dma_start3A_29 = arith.constant 0 : i32
    %dma_start3A_30 = tpu.memref_slice %arg7[%dma_start3A_27, %dma_start3A_28, %dma_start3A_29] : memref<8x64x128xf32, #tpu.memory_space<vmem>> -> memref<1x64x128xf32, #tpu.memory_space<vmem>>
    %dma_start3A_31 = tpu.memref_squeeze %dma_start3A_30 : memref<1x64x128xf32, #tpu.memory_space<vmem>> -> memref<64x128xf32, #tpu.memory_space<vmem>>
    %dma_start3A_32 = arith.constant 0 : i32
    %dma_start3A_33 = tpu.memref_slice %arg3[%dma_start3A_32, %multiple_of3A] : memref<64x1000000xf32, #tpu.memory_space<hbm>> -> memref<64x128xf32, #tpu.memory_space<hbm>>
    %dma_start3A_34 = arith.constant 0 : i32
    %dma_start3A_35 = arith.constant 0 : i32
    %dma_start3A_36 = tpu.memref_slice %arg7[%dma_start3A_27, %dma_start3A_34, %dma_start3A_35] : memref<8x64x128xf32, #tpu.memory_space<vmem>> -> memref<1x64x128xf32, #tpu.memory_space<vmem>>
    %dma_start3A_37 = tpu.memref_squeeze %dma_start3A_36 : memref<1x64x128xf32, #tpu.memory_space<vmem>> -> memref<64x128xf32, #tpu.memory_space<vmem>>
    %dma_start3A_38 = arith.constant 0 : i32
    %dma_start3A_39 = tpu.memref_slice %arg3[%dma_start3A_38, %multiple_of3A] : memref<64x1000000xf32, #tpu.memory_space<hbm>> -> memref<64x128xf32, #tpu.memory_space<hbm>>
    tpu.enqueue_dma source(%dma_start3A_39 : memref<64x128xf32, #tpu.memory_space<hbm>>) target(%dma_start3A_37 : memref<64x128xf32, #tpu.memory_space<vmem>>) target_semaphore(%arg9 : memref<!tpu.dma_semaphore, #tpu.memory_space<semaphore_mem>>)
    %slice3A_40 = vector.extract_strided_slice %get3A_24 {offsets = [1], sizes = [1], strides = [1]} : vector<16xi32> to vector<1xi32>
    %squeeze3A_41 = vector.extract %slice3A_40[0] : i32 from vector<1xi32>
    %shift_right_arithmetic3A_42 = arith.constant 7 : i32
    %shift_right_arithmetic3A_43 = arith.shrsi %squeeze3A_41, %shift_right_arithmetic3A_42 : i32
    %shift_left3A_44 = arith.constant 7 : i32
    %shift_left3A_45 = arith.shli %shift_right_arithmetic3A_43, %shift_left3A_44 : i32
    %multiple_of3A_46 = tpu.assume_multiple %shift_left3A_45, 128 : i32
    %dma_start3A_47 = arith.constant 1 : i32
    %dma_start3A_48 = arith.constant 0 : i32
    %dma_start3A_49 = arith.constant 0 : i32
    %dma_start3A_50 = tpu.memref_slice %arg7[%dma_start3A_47, %dma_start3A_48, %dma_start3A_49] : memref<8x64x128xf32, #tpu.memory_space<vmem>> -> memref<1x64x128xf32, #tpu.memory_space<vmem>>
    %dma_start3A_51 = tpu.memref_squeeze %dma_start3A_50 : memref<1x64x128xf32, #tpu.memory_space<vmem>> -> memref<64x128xf32, #tpu.memory_space<vmem>>
    %dma_start3A_52 = arith.constant 0 : i32
    %dma_start3A_53 = tpu.memref_slice %arg3[%dma_start3A_52, %multiple_of3A_46] : memref<64x1000000xf32, #tpu.memory_space<hbm>> -> memref<64x128xf32, #tpu.memory_space<hbm>>
    %dma_start3A_54 = arith.constant 0 : i32
    %dma_start3A_55 = arith.constant 0 : i32
    %dma_start3A_56 = tpu.memref_slice %arg7[%dma_start3A_47, %dma_start3A_54, %dma_start3A_55] : memref<8x64x128xf32, #tpu.memory_space<vmem>> -> memref<1x64x128xf32, #tpu.memory_space<vmem>>
    %dma_start3A_57 = tpu.memref_squeeze %dma_start3A_56 : memref<1x64x128xf32, #tpu.memory_space<vmem>> -> memref<64x128xf32, #tpu.memory_space<vmem>>
    %dma_start3A_58 = arith.constant 0 : i32
    %dma_start3A_59 = tpu.memref_slice %arg3[%dma_start3A_58, %multiple_of3A_46] : memref<64x1000000xf32, #tpu.memory_space<hbm>> -> memref<64x128xf32, #tpu.memory_space<hbm>>
    tpu.enqueue_dma source(%dma_start3A_59 : memref<64x128xf32, #tpu.memory_space<hbm>>) target(%dma_start3A_57 : memref<64x128xf32, #tpu.memory_space<vmem>>) target_semaphore(%arg10 : memref<!tpu.dma_semaphore, #tpu.memory_space<semaphore_mem>>)
    %slice3A_60 = vector.extract_strided_slice %get3A_24 {offsets = [2], sizes = [1], strides = [1]} : vector<16xi32> to vector<1xi32>
    %squeeze3A_61 = vector.extract %slice3A_60[0] : i32 from vector<1xi32>
    %shift_right_arithmetic3A_62 = arith.constant 7 : i32
    %shift_right_arithmetic3A_63 = arith.shrsi %squeeze3A_61, %shift_right_arithmetic3A_62 : i32
    %shift_left3A_64 = arith.constant 7 : i32
    %shift_left3A_65 = arith.shli %shift_right_arithmetic3A_63, %shift_left3A_64 : i32
    %multiple_of3A_66 = tpu.assume_multiple %shift_left3A_65, 128 : i32
    %dma_start3A_67 = arith.constant 2 : i32
    %dma_start3A_68 = arith.constant 0 : i32
    %dma_start3A_69 = arith.constant 0 : i32
    %dma_start3A_70 = tpu.memref_slice %arg7[%dma_start3A_67, %dma_start3A_68, %dma_start3A_69] : memref<8x64x128xf32, #tpu.memory_space<vmem>> -> memref<1x64x128xf32, #tpu.memory_space<vmem>>
    %dma_start3A_71 = tpu.memref_squeeze %dma_start3A_70 : memref<1x64x128xf32, #tpu.memory_space<vmem>> -> memref<64x128xf32, #tpu.memory_space<vmem>>
    %dma_start3A_72 = arith.constant 0 : i32
    %dma_start3A_73 = tpu.memref_slice %arg3[%dma_start3A_72, %multiple_of3A_66] : memref<64x1000000xf32, #tpu.memory_space<hbm>> -> memref<64x128xf32, #tpu.memory_space<hbm>>
    %dma_start3A_74 = arith.constant 0 : i32
    %dma_start3A_75 = arith.constant 0 : i32
    %dma_start3A_76 = tpu.memref_slice %arg7[%dma_start3A_67, %dma_start3A_74, %dma_start3A_75] : memref<8x64x128xf32, #tpu.memory_space<vmem>> -> memref<1x64x128xf32, #tpu.memory_space<vmem>>
    %dma_start3A_77 = tpu.memref_squeeze %dma_start3A_76 : memref<1x64x128xf32, #tpu.memory_space<vmem>> -> memref<64x128xf32, #tpu.memory_space<vmem>>
    %dma_start3A_78 = arith.constant 0 : i32
    %dma_start3A_79 = tpu.memref_slice %arg3[%dma_start3A_78, %multiple_of3A_66] : memref<64x1000000xf32, #tpu.memory_space<hbm>> -> memref<64x128xf32, #tpu.memory_space<hbm>>
    tpu.enqueue_dma source(%dma_start3A_79 : memref<64x128xf32, #tpu.memory_space<hbm>>) target(%dma_start3A_77 : memref<64x128xf32, #tpu.memory_space<vmem>>) target_semaphore(%arg11 : memref<!tpu.dma_semaphore, #tpu.memory_space<semaphore_mem>>)
    %slice3A_80 = vector.extract_strided_slice %get3A_24 {offsets = [3], sizes = [1], strides = [1]} : vector<16xi32> to vector<1xi32>
    %squeeze3A_81 = vector.extract %slice3A_80[0] : i32 from vector<1xi32>
    %shift_right_arithmetic3A_82 = arith.constant 7 : i32
    %shift_right_arithmetic3A_83 = arith.shrsi %squeeze3A_81, %shift_right_arithmetic3A_82 : i32
    %shift_left3A_84 = arith.constant 7 : i32
    %shift_left3A_85 = arith.shli %shift_right_arithmetic3A_83, %shift_left3A_84 : i32
    %multiple_of3A_86 = tpu.assume_multiple %shift_left3A_85, 128 : i32
    %dma_start3A_87 = arith.constant 3 : i32
    %dma_start3A_88 = arith.constant 0 : i32
    %dma_start3A_89 = arith.constant 0 : i32
    %dma_start3A_90 = tpu.memref_slice %arg7[%dma_start3A_87, %dma_start3A_88, %dma_start3A_89] : memref<8x64x128xf32, #tpu.memory_space<vmem>> -> memref<1x64x128xf32, #tpu.memory_space<vmem>>
    %dma_start3A_91 = tpu.memref_squeeze %dma_start3A_90 : memref<1x64x128xf32, #tpu.memory_space<vmem>> -> memref<64x128xf32, #tpu.memory_space<vmem>>
    %dma_start3A_92 = arith.constant 0 : i32
    %dma_start3A_93 = tpu.memref_slice %arg3[%dma_start3A_92, %multiple_of3A_86] : memref<64x1000000xf32, #tpu.memory_space<hbm>> -> memref<64x128xf32, #tpu.memory_space<hbm>>
    %dma_start3A_94 = arith.constant 0 : i32
    %dma_start3A_95 = arith.constant 0 : i32
    %dma_start3A_96 = tpu.memref_slice %arg7[%dma_start3A_87, %dma_start3A_94, %dma_start3A_95] : memref<8x64x128xf32, #tpu.memory_space<vmem>> -> memref<1x64x128xf32, #tpu.memory_space<vmem>>
    %dma_start3A_97 = tpu.memref_squeeze %dma_start3A_96 : memref<1x64x128xf32, #tpu.memory_space<vmem>> -> memref<64x128xf32, #tpu.memory_space<vmem>>
    %dma_start3A_98 = arith.constant 0 : i32
    %dma_start3A_99 = tpu.memref_slice %arg3[%dma_start3A_98, %multiple_of3A_86] : memref<64x1000000xf32, #tpu.memory_space<hbm>> -> memref<64x128xf32, #tpu.memory_space<hbm>>
    tpu.enqueue_dma source(%dma_start3A_99 : memref<64x128xf32, #tpu.memory_space<hbm>>) target(%dma_start3A_97 : memref<64x128xf32, #tpu.memory_space<vmem>>) target_semaphore(%arg12 : memref<!tpu.dma_semaphore, #tpu.memory_space<semaphore_mem>>)
    %slice3A_100 = vector.extract_strided_slice %get3A_24 {offsets = [4], sizes = [1], strides = [1]} : vector<16xi32> to vector<1xi32>
    %squeeze3A_101 = vector.extract %slice3A_100[0] : i32 from vector<1xi32>
    %shift_right_arithmetic3A_102 = arith.constant 7 : i32
    %shift_right_arithmetic3A_103 = arith.shrsi %squeeze3A_101, %shift_right_arithmetic3A_102 : i32
    %shift_left3A_104 = arith.constant 7 : i32
    %shift_left3A_105 = arith.shli %shift_right_arithmetic3A_103, %shift_left3A_104 : i32
    %multiple_of3A_106 = tpu.assume_multiple %shift_left3A_105, 128 : i32
    %dma_start3A_107 = arith.constant 4 : i32
    %dma_start3A_108 = arith.constant 0 : i32
    %dma_start3A_109 = arith.constant 0 : i32
    %dma_start3A_110 = tpu.memref_slice %arg7[%dma_start3A_107, %dma_start3A_108, %dma_start3A_109] : memref<8x64x128xf32, #tpu.memory_space<vmem>> -> memref<1x64x128xf32, #tpu.memory_space<vmem>>
    %dma_start3A_111 = tpu.memref_squeeze %dma_start3A_110 : memref<1x64x128xf32, #tpu.memory_space<vmem>> -> memref<64x128xf32, #tpu.memory_space<vmem>>
    %dma_start3A_112 = arith.constant 0 : i32
    %dma_start3A_113 = tpu.memref_slice %arg3[%dma_start3A_112, %multiple_of3A_106] : memref<64x1000000xf32, #tpu.memory_space<hbm>> -> memref<64x128xf32, #tpu.memory_space<hbm>>
    %dma_start3A_114 = arith.constant 0 : i32
    %dma_start3A_115 = arith.constant 0 : i32
    %dma_start3A_116 = tpu.memref_slice %arg7[%dma_start3A_107, %dma_start3A_114, %dma_start3A_115] : memref<8x64x128xf32, #tpu.memory_space<vmem>> -> memref<1x64x128xf32, #tpu.memory_space<vmem>>
    %dma_start3A_117 = tpu.memref_squeeze %dma_start3A_116 : memref<1x64x128xf32, #tpu.memory_space<vmem>> -> memref<64x128xf32, #tpu.memory_space<vmem>>
    %dma_start3A_118 = arith.constant 0 : i32
    %dma_start3A_119 = tpu.memref_slice %arg3[%dma_start3A_118, %multiple_of3A_106] : memref<64x1000000xf32, #tpu.memory_space<hbm>> -> memref<64x128xf32, #tpu.memory_space<hbm>>
    tpu.enqueue_dma source(%dma_start3A_119 : memref<64x128xf32, #tpu.memory_space<hbm>>) target(%dma_start3A_117 : memref<64x128xf32, #tpu.memory_space<vmem>>) target_semaphore(%arg13 : memref<!tpu.dma_semaphore, #tpu.memory_space<semaphore_mem>>)
    %slice3A_120 = vector.extract_strided_slice %get3A_24 {offsets = [5], sizes = [1], strides = [1]} : vector<16xi32> to vector<1xi32>
    %squeeze3A_121 = vector.extract %slice3A_120[0] : i32 from vector<1xi32>
    %shift_right_arithmetic3A_122 = arith.constant 7 : i32
    %shift_right_arithmetic3A_123 = arith.shrsi %squeeze3A_121, %shift_right_arithmetic3A_122 : i32
    %shift_left3A_124 = arith.constant 7 : i32
    %shift_left3A_125 = arith.shli %shift_right_arithmetic3A_123, %shift_left3A_124 : i32
    %multiple_of3A_126 = tpu.assume_multiple %shift_left3A_125, 128 : i32
    %dma_start3A_127 = arith.constant 5 : i32
    %dma_start3A_128 = arith.constant 0 : i32
    %dma_start3A_129 = arith.constant 0 : i32
    %dma_start3A_130 = tpu.memref_slice %arg7[%dma_start3A_127, %dma_start3A_128, %dma_start3A_129] : memref<8x64x128xf32, #tpu.memory_space<vmem>> -> memref<1x64x128xf32, #tpu.memory_space<vmem>>
    %dma_start3A_131 = tpu.memref_squeeze %dma_start3A_130 : memref<1x64x128xf32, #tpu.memory_space<vmem>> -> memref<64x128xf32, #tpu.memory_space<vmem>>
    %dma_start3A_132 = arith.constant 0 : i32
    %dma_start3A_133 = tpu.memref_slice %arg3[%dma_start3A_132, %multiple_of3A_126] : memref<64x1000000xf32, #tpu.memory_space<hbm>> -> memref<64x128xf32, #tpu.memory_space<hbm>>
    %dma_start3A_134 = arith.constant 0 : i32
    %dma_start3A_135 = arith.constant 0 : i32
    %dma_start3A_136 = tpu.memref_slice %arg7[%dma_start3A_127, %dma_start3A_134, %dma_start3A_135] : memref<8x64x128xf32, #tpu.memory_space<vmem>> -> memref<1x64x128xf32, #tpu.memory_space<vmem>>
    %dma_start3A_137 = tpu.memref_squeeze %dma_start3A_136 : memref<1x64x128xf32, #tpu.memory_space<vmem>> -> memref<64x128xf32, #tpu.memory_space<vmem>>
    %dma_start3A_138 = arith.constant 0 : i32
    %dma_start3A_139 = tpu.memref_slice %arg3[%dma_start3A_138, %multiple_of3A_126] : memref<64x1000000xf32, #tpu.memory_space<hbm>> -> memref<64x128xf32, #tpu.memory_space<hbm>>
    tpu.enqueue_dma source(%dma_start3A_139 : memref<64x128xf32, #tpu.memory_space<hbm>>) target(%dma_start3A_137 : memref<64x128xf32, #tpu.memory_space<vmem>>) target_semaphore(%arg14 : memref<!tpu.dma_semaphore, #tpu.memory_space<semaphore_mem>>)
    %slice3A_140 = vector.extract_strided_slice %get3A_24 {offsets = [6], sizes = [1], strides = [1]} : vector<16xi32> to vector<1xi32>
    %squeeze3A_141 = vector.extract %slice3A_140[0] : i32 from vector<1xi32>
    %shift_right_arithmetic3A_142 = arith.constant 7 : i32
    %shift_right_arithmetic3A_143 = arith.shrsi %squeeze3A_141, %shift_right_arithmetic3A_142 : i32
    %shift_left3A_144 = arith.constant 7 : i32
    %shift_left3A_145 = arith.shli %shift_right_arithmetic3A_143, %shift_left3A_144 : i32
    %multiple_of3A_146 = tpu.assume_multiple %shift_left3A_145, 128 : i32
    %dma_start3A_147 = arith.constant 6 : i32
    %dma_start3A_148 = arith.constant 0 : i32
    %dma_start3A_149 = arith.constant 0 : i32
    %dma_start3A_150 = tpu.memref_slice %arg7[%dma_start3A_147, %dma_start3A_148, %dma_start3A_149] : memref<8x64x128xf32, #tpu.memory_space<vmem>> -> memref<1x64x128xf32, #tpu.memory_space<vmem>>
    %dma_start3A_151 = tpu.memref_squeeze %dma_start3A_150 : memref<1x64x128xf32, #tpu.memory_space<vmem>> -> memref<64x128xf32, #tpu.memory_space<vmem>>
    %dma_start3A_152 = arith.constant 0 : i32
    %dma_start3A_153 = tpu.memref_slice %arg3[%dma_start3A_152, %multiple_of3A_146] : memref<64x1000000xf32, #tpu.memory_space<hbm>> -> memref<64x128xf32, #tpu.memory_space<hbm>>
    %dma_start3A_154 = arith.constant 0 : i32
    %dma_start3A_155 = arith.constant 0 : i32
    %dma_start3A_156 = tpu.memref_slice %arg7[%dma_start3A_147, %dma_start3A_154, %dma_start3A_155] : memref<8x64x128xf32, #tpu.memory_space<vmem>> -> memref<1x64x128xf32, #tpu.memory_space<vmem>>
    %dma_start3A_157 = tpu.memref_squeeze %dma_start3A_156 : memref<1x64x128xf32, #tpu.memory_space<vmem>> -> memref<64x128xf32, #tpu.memory_space<vmem>>
    %dma_start3A_158 = arith.constant 0 : i32
    %dma_start3A_159 = tpu.memref_slice %arg3[%dma_start3A_158, %multiple_of3A_146] : memref<64x1000000xf32, #tpu.memory_space<hbm>> -> memref<64x128xf32, #tpu.memory_space<hbm>>
    tpu.enqueue_dma source(%dma_start3A_159 : memref<64x128xf32, #tpu.memory_space<hbm>>) target(%dma_start3A_157 : memref<64x128xf32, #tpu.memory_space<vmem>>) target_semaphore(%arg15 : memref<!tpu.dma_semaphore, #tpu.memory_space<semaphore_mem>>)
    %slice3A_160 = vector.extract_strided_slice %get3A_24 {offsets = [7], sizes = [1], strides = [1]} : vector<16xi32> to vector<1xi32>
    %squeeze3A_161 = vector.extract %slice3A_160[0] : i32 from vector<1xi32>
    %shift_right_arithmetic3A_162 = arith.constant 7 : i32
    %shift_right_arithmetic3A_163 = arith.shrsi %squeeze3A_161, %shift_right_arithmetic3A_162 : i32
    %shift_left3A_164 = arith.constant 7 : i32
    %shift_left3A_165 = arith.shli %shift_right_arithmetic3A_163, %shift_left3A_164 : i32
    %multiple_of3A_166 = tpu.assume_multiple %shift_left3A_165, 128 : i32
    %dma_start3A_167 = arith.constant 7 : i32
    %dma_start3A_168 = arith.constant 0 : i32
    %dma_start3A_169 = arith.constant 0 : i32
    %dma_start3A_170 = tpu.memref_slice %arg7[%dma_start3A_167, %dma_start3A_168, %dma_start3A_169] : memref<8x64x128xf32, #tpu.memory_space<vmem>> -> memref<1x64x128xf32, #tpu.memory_space<vmem>>
    %dma_start3A_171 = tpu.memref_squeeze %dma_start3A_170 : memref<1x64x128xf32, #tpu.memory_space<vmem>> -> memref<64x128xf32, #tpu.memory_space<vmem>>
    %dma_start3A_172 = arith.constant 0 : i32
    %dma_start3A_173 = tpu.memref_slice %arg3[%dma_start3A_172, %multiple_of3A_166] : memref<64x1000000xf32, #tpu.memory_space<hbm>> -> memref<64x128xf32, #tpu.memory_space<hbm>>
    %dma_start3A_174 = arith.constant 0 : i32
    %dma_start3A_175 = arith.constant 0 : i32
    %dma_start3A_176 = tpu.memref_slice %arg7[%dma_start3A_167, %dma_start3A_174, %dma_start3A_175] : memref<8x64x128xf32, #tpu.memory_space<vmem>> -> memref<1x64x128xf32, #tpu.memory_space<vmem>>
    %dma_start3A_177 = tpu.memref_squeeze %dma_start3A_176 : memref<1x64x128xf32, #tpu.memory_space<vmem>> -> memref<64x128xf32, #tpu.memory_space<vmem>>
    %dma_start3A_178 = arith.constant 0 : i32
    %dma_start3A_179 = tpu.memref_slice %arg3[%dma_start3A_178, %multiple_of3A_166] : memref<64x1000000xf32, #tpu.memory_space<hbm>> -> memref<64x128xf32, #tpu.memory_space<hbm>>
    tpu.enqueue_dma source(%dma_start3A_179 : memref<64x128xf32, #tpu.memory_space<hbm>>) target(%dma_start3A_177 : memref<64x128xf32, #tpu.memory_space<vmem>>) target_semaphore(%arg16 : memref<!tpu.dma_semaphore, #tpu.memory_space<semaphore_mem>>)
    %dma_wait3A = arith.constant 0 : i32
    %dma_wait3A_180 = tpu.memref_slice %arg4[%dma_wait3A, %rem3A_20] : memref<64x2048xf32, #tpu.memory_space<hbm>> -> memref<64x256xf32, #tpu.memory_space<hbm>>
    %dma_wait3A_181 = arith.constant 0 : i32
    %dma_wait3A_182 = tpu.memref_slice %arg4[%dma_wait3A_181, %rem3A_20] : memref<64x2048xf32, #tpu.memory_space<hbm>> -> memref<64x256xf32, #tpu.memory_space<hbm>>
    tpu.wait_dma2 semaphore(%arg17 : memref<!tpu.dma_semaphore, #tpu.memory_space<semaphore_mem>>) src(%dma_wait3A_182 : memref<64x256xf32, #tpu.memory_space<hbm>>) dst(%arg8 : memref<64x256xf32, #tpu.memory_space<vmem>>)
    %iota3A = tpu.iota {dimensions = array<i32: 0>} : vector<16xi32>
    %add3A_183 = arith.constant 0 : i32
    %add3A_184 = vector.broadcast %add3A_183 : i32 to vector<16xi32>
    %add3A_185 = arith.addi %iota3A, %add3A_184 : vector<16xi32>
    %iota3A_186 = tpu.iota {dimensions = array<i32: 0>} : vector<16xi32>
    %add3A_187 = arith.constant 16 : i32
    %add3A_188 = vector.broadcast %add3A_187 : i32 to vector<16xi32>
    %add3A_189 = arith.addi %iota3A_186, %add3A_188 : vector<16xi32>
    %iota3A_190 = tpu.iota {dimensions = array<i32: 0>} : vector<16xi32>
    %add3A_191 = arith.constant 32 : i32
    %add3A_192 = vector.broadcast %add3A_191 : i32 to vector<16xi32>
    %add3A_193 = arith.addi %iota3A_190, %add3A_192 : vector<16xi32>
    %iota3A_194 = tpu.iota {dimensions = array<i32: 0>} : vector<16xi32>
    %add3A_195 = arith.constant 48 : i32
    %add3A_196 = vector.broadcast %add3A_195 : i32 to vector<16xi32>
    %add3A_197 = arith.addi %iota3A_194, %add3A_196 : vector<16xi32>
    %scan3A = arith.constant 0 : i32
    %scan3A_198 = arith.constant 0 : i32
    %scan3A_199 = arith.constant 32 : i32
    %scan3A_200 = arith.addi %scan3A_198, %scan3A_199 : i32
    %scan3A_201 = arith.constant 1 : i32
    scf.for %scan3A_203 = %scan3A_198 to %scan3A_200 step %scan3A_201  : i32 {
      %mul3A_204 = arith.constant 8 : i32
      %mul3A_205 = arith.muli %scan3A_203, %mul3A_204 : i32
      %get3A_206 = arith.index_cast %mul3A_205 : i32 to index
      %get3A_207 = tpu.vector_load %arg6[%get3A_206] {strides = array<i32>} : memref<272xi32, #tpu.memory_space<vmem>>, vector<16xi32>,
      %mul3A_208 = arith.constant 8 : i32
      %mul3A_209 = arith.muli %scan3A_203, %mul3A_208 : i32
      %add3A_210 = arith.constant 8 : i32
      %add3A_211 = arith.addi %mul3A_209, %add3A_210 : i32
      %get3A_212 = arith.index_cast %add3A_211 : i32 to index
      %get3A_213 = tpu.vector_load %arg6[%get3A_212] {strides = array<i32>} : memref<272xi32, #tpu.memory_space<vmem>>, vector<16xi32>,
      %dma_wait3A_214 = arith.constant 0 : i32
      %dma_wait3A_215 = arith.constant 0 : i32
      %dma_wait3A_216 = arith.constant 0 : i32
      %dma_wait3A_217 = tpu.memref_slice %arg7[%dma_wait3A_214, %dma_wait3A_215, %dma_wait3A_216] : memref<8x64x128xf32, #tpu.memory_space<vmem>> -> memref<1x64x128xf32, #tpu.memory_space<vmem>>
      %dma_wait3A_218 = tpu.memref_squeeze %dma_wait3A_217 : memref<1x64x128xf32, #tpu.memory_space<vmem>> -> memref<64x128xf32, #tpu.memory_space<vmem>>
      %dma_wait3A_219 = arith.constant 0 : i32
      %dma_wait3A_220 = arith.constant 0 : i32
      %dma_wait3A_221 = tpu.memref_slice %arg3[%dma_wait3A_219, %dma_wait3A_220] : memref<64x1000000xf32, #tpu.memory_space<hbm>> -> memref<64x128xf32, #tpu.memory_space<hbm>>
      %dma_wait3A_222 = arith.constant 0 : i32
      %dma_wait3A_223 = arith.constant 0 : i32
      %dma_wait3A_224 = tpu.memref_slice %arg7[%dma_wait3A_214, %dma_wait3A_222, %dma_wait3A_223] : memref<8x64x128xf32, #tpu.memory_space<vmem>> -> memref<1x64x128xf32, #tpu.memory_space<vmem>>
      %dma_wait3A_225 = tpu.memref_squeeze %dma_wait3A_224 : memref<1x64x128xf32, #tpu.memory_space<vmem>> -> memref<64x128xf32, #tpu.memory_space<vmem>>
      %dma_wait3A_226 = arith.constant 0 : i32
      %dma_wait3A_227 = arith.constant 0 : i32
      %dma_wait3A_228 = tpu.memref_slice %arg3[%dma_wait3A_226, %dma_wait3A_227] : memref<64x1000000xf32, #tpu.memory_space<hbm>> -> memref<64x128xf32, #tpu.memory_space<hbm>>
      tpu.wait_dma2 semaphore(%arg9 : memref<!tpu.dma_semaphore, #tpu.memory_space<semaphore_mem>>) src(%dma_wait3A_228 : memref<64x128xf32, #tpu.memory_space<hbm>>) dst(%dma_wait3A_225 : memref<64x128xf32, #tpu.memory_space<vmem>>)
      %mul3A_229 = arith.constant 8 : i32
      %mul3A_230 = arith.muli %scan3A_203, %mul3A_229 : i32
      %add3A_231 = arith.constant 0 : i32
      %add3A_232 = arith.addi %mul3A_230, %add3A_231 : i32
      %slice3A_233 = vector.extract_strided_slice %get3A_207 {offsets = [0], sizes = [1], strides = [1]} : vector<16xi32> to vector<1xi32>
      %squeeze3A_234 = vector.extract %slice3A_233[0] : i32 from vector<1xi32>
      %and3A_235 = arith.constant 127 : i32
      %and3A_236 = arith.andi %squeeze3A_234, %and3A_235 : i32
      %broadcast_in_dim3A = vector.broadcast %and3A_236 : i32 to vector<16xi32>
      %broadcast_in_dim3A_237 = vector.broadcast %add3A_232 : i32 to vector<16xi32>
      %gather3A = arith.constant 0 : i32
      %gather3A_238 = arith.constant 0 : i32
      %gather3A_239 = arith.constant 0 : i32
      %gather3A_240 = tpu.memref_slice %arg7[%gather3A, %gather3A_238, %gather3A_239] : memref<8x64x128xf32, #tpu.memory_space<vmem>> -> memref<1x64x128xf32, #tpu.memory_space<vmem>>
      %gather3A_241 = tpu.memref_squeeze %gather3A_240 : memref<1x64x128xf32, #tpu.memory_space<vmem>> -> memref<64x128xf32, #tpu.memory_space<vmem>>
      %gather3A_242 = tpu.vector_load_idx %gather3A_241[%add3A_185, %broadcast_in_dim3A] : memref<64x128xf32, #tpu.memory_space<vmem>>[vector<16xi32>, vector<16xi32>], vector<16xf32>,
      %gather3A_243 = arith.constant 0 : i32
      %gather3A_244 = arith.constant 0 : i32
      %gather3A_245 = arith.constant 0 : i32
      %gather3A_246 = tpu.memref_slice %arg7[%gather3A_243, %gather3A_244, %gather3A_245] : memref<8x64x128xf32, #tpu.memory_space<vmem>> -> memref<1x64x128xf32, #tpu.memory_space<vmem>>
      %gather3A_247 = tpu.memref_squeeze %gather3A_246 : memref<1x64x128xf32, #tpu.memory_space<vmem>> -> memref<64x128xf32, #tpu.memory_space<vmem>>
      %gather3A_248 = tpu.vector_load_idx %gather3A_247[%add3A_189, %broadcast_in_dim3A] : memref<64x128xf32, #tpu.memory_space<vmem>>[vector<16xi32>, vector<16xi32>], vector<16xf32>,
      %gather3A_249 = arith.constant 0 : i32
      %gather3A_250 = arith.constant 0 : i32
      %gather3A_251 = arith.constant 0 : i32
      %gather3A_252 = tpu.memref_slice %arg7[%gather3A_249, %gather3A_250, %gather3A_251] : memref<8x64x128xf32, #tpu.memory_space<vmem>> -> memref<1x64x128xf32, #tpu.memory_space<vmem>>
      %gather3A_253 = tpu.memref_squeeze %gather3A_252 : memref<1x64x128xf32, #tpu.memory_space<vmem>> -> memref<64x128xf32, #tpu.memory_space<vmem>>
      %gather3A_254 = tpu.vector_load_idx %gather3A_253[%add3A_193, %broadcast_in_dim3A] : memref<64x128xf32, #tpu.memory_space<vmem>>[vector<16xi32>, vector<16xi32>], vector<16xf32>,
      %gather3A_255 = arith.constant 0 : i32
      %gather3A_256 = arith.constant 0 : i32
      %gather3A_257 = arith.constant 0 : i32
      %gather3A_258 = tpu.memref_slice %arg7[%gather3A_255, %gather3A_256, %gather3A_257] : memref<8x64x128xf32, #tpu.memory_space<vmem>> -> memref<1x64x128xf32, #tpu.memory_space<vmem>>
      %gather3A_259 = tpu.memref_squeeze %gather3A_258 : memref<1x64x128xf32, #tpu.memory_space<vmem>> -> memref<64x128xf32, #tpu.memory_space<vmem>>
      %gather3A_260 = tpu.vector_load_idx %gather3A_259[%add3A_197, %broadcast_in_dim3A] : memref<64x128xf32, #tpu.memory_space<vmem>>[vector<16xi32>, vector<16xi32>], vector<16xf32>,
      %lt3A = arith.constant 31 : i32
      %lt3A_261 = arith.cmpi slt, %scan3A_203, %lt3A : i32
      %convert_element_type3A = arith.extui %lt3A_261 : i1 to i32
      %cond3A = arith.constant 0 : i32
      %cond3A_262 = arith.cmpi ne, %convert_element_type3A, %cond3A : i32
      scf.if %cond3A_262 {
        %slice3A_641 = vector.extract_strided_slice %get3A_213 {offsets = [0], sizes = [1], strides = [1]} : vector<16xi32> to vector<1xi32>
        %squeeze3A_642 = vector.extract %slice3A_641[0] : i32 from vector<1xi32>
        %shift_right_arithmetic3A_643 = arith.constant 7 : i32
        %shift_right_arithmetic3A_644 = arith.shrsi %squeeze3A_642, %shift_right_arithmetic3A_643 : i32
        %shift_left3A_645 = arith.constant 7 : i32
        %shift_left3A_646 = arith.shli %shift_right_arithmetic3A_644, %shift_left3A_645 : i32
        %multiple_of3A_647 = tpu.assume_multiple %shift_left3A_646, 128 : i32
        %dma_start3A_648 = arith.constant 0 : i32
        %dma_start3A_649 = arith.constant 0 : i32
        %dma_start3A_650 = arith.constant 0 : i32
        %dma_start3A_651 = tpu.memref_slice %arg7[%dma_start3A_648, %dma_start3A_649, %dma_start3A_650] : memref<8x64x128xf32, #tpu.memory_space<vmem>> -> memref<1x64x128xf32, #tpu.memory_space<vmem>>
        %dma_start3A_652 = tpu.memref_squeeze %dma_start3A_651 : memref<1x64x128xf32, #tpu.memory_space<vmem>> -> memref<64x128xf32, #tpu.memory_space<vmem>>
        %dma_start3A_653 = arith.constant 0 : i32
        %dma_start3A_654 = tpu.memref_slice %arg3[%dma_start3A_653, %multiple_of3A_647] : memref<64x1000000xf32, #tpu.memory_space<hbm>> -> memref<64x128xf32, #tpu.memory_space<hbm>>
        %dma_start3A_655 = arith.constant 0 : i32
        %dma_start3A_656 = arith.constant 0 : i32
        %dma_start3A_657 = tpu.memref_slice %arg7[%dma_start3A_648, %dma_start3A_655, %dma_start3A_656] : memref<8x64x128xf32, #tpu.memory_space<vmem>> -> memref<1x64x128xf32, #tpu.memory_space<vmem>>
        %dma_start3A_658 = tpu.memref_squeeze %dma_start3A_657 : memref<1x64x128xf32, #tpu.memory_space<vmem>> -> memref<64x128xf32, #tpu.memory_space<vmem>>
        %dma_start3A_659 = arith.constant 0 : i32
        %dma_start3A_660 = tpu.memref_slice %arg3[%dma_start3A_659, %multiple_of3A_647] : memref<64x1000000xf32, #tpu.memory_space<hbm>> -> memref<64x128xf32, #tpu.memory_space<hbm>>
        tpu.enqueue_dma source(%dma_start3A_660 : memref<64x128xf32, #tpu.memory_space<hbm>>) target(%dma_start3A_658 : memref<64x128xf32, #tpu.memory_space<vmem>>) target_semaphore(%arg9 : memref<!tpu.dma_semaphore, #tpu.memory_space<semaphore_mem>>)
      } else {
      }
      tpu.vector_store_idx %arg8[%add3A_185, %broadcast_in_dim3A_237], %gather3A_242 {add = true} : memref<64x256xf32, #tpu.memory_space<vmem>>[vector<16xi32>, vector<16xi32>], vector<16xf32>,
      tpu.vector_store_idx %arg8[%add3A_189, %broadcast_in_dim3A_237], %gather3A_248 {add = true} : memref<64x256xf32, #tpu.memory_space<vmem>>[vector<16xi32>, vector<16xi32>], vector<16xf32>,
      tpu.vector_store_idx %arg8[%add3A_193, %broadcast_in_dim3A_237], %gather3A_254 {add = true} : memref<64x256xf32, #tpu.memory_space<vmem>>[vector<16xi32>, vector<16xi32>], vector<16xf32>,
      tpu.vector_store_idx %arg8[%add3A_197, %broadcast_in_dim3A_237], %gather3A_260 {add = true} : memref<64x256xf32, #tpu.memory_space<vmem>>[vector<16xi32>, vector<16xi32>], vector<16xf32>,
      %dma_wait3A_263 = arith.constant 1 : i32
      %dma_wait3A_264 = arith.constant 0 : i32
      %dma_wait3A_265 = arith.constant 0 : i32
      %dma_wait3A_266 = tpu.memref_slice %arg7[%dma_wait3A_263, %dma_wait3A_264, %dma_wait3A_265] : memref<8x64x128xf32, #tpu.memory_space<vmem>> -> memref<1x64x128xf32, #tpu.memory_space<vmem>>
      %dma_wait3A_267 = tpu.memref_squeeze %dma_wait3A_266 : memref<1x64x128xf32, #tpu.memory_space<vmem>> -> memref<64x128xf32, #tpu.memory_space<vmem>>
      %dma_wait3A_268 = arith.constant 0 : i32
      %dma_wait3A_269 = arith.constant 0 : i32
      %dma_wait3A_270 = tpu.memref_slice %arg3[%dma_wait3A_268, %dma_wait3A_269] : memref<64x1000000xf32, #tpu.memory_space<hbm>> -> memref<64x128xf32, #tpu.memory_space<hbm>>
      %dma_wait3A_271 = arith.constant 0 : i32
      %dma_wait3A_272 = arith.constant 0 : i32
      %dma_wait3A_273 = tpu.memref_slice %arg7[%dma_wait3A_263, %dma_wait3A_271, %dma_wait3A_272] : memref<8x64x128xf32, #tpu.memory_space<vmem>> -> memref<1x64x128xf32, #tpu.memory_space<vmem>>
      %dma_wait3A_274 = tpu.memref_squeeze %dma_wait3A_273 : memref<1x64x128xf32, #tpu.memory_space<vmem>> -> memref<64x128xf32, #tpu.memory_space<vmem>>
      %dma_wait3A_275 = arith.constant 0 : i32
      %dma_wait3A_276 = arith.constant 0 : i32
      %dma_wait3A_277 = tpu.memref_slice %arg3[%dma_wait3A_275, %dma_wait3A_276] : memref<64x1000000xf32, #tpu.memory_space<hbm>> -> memref<64x128xf32, #tpu.memory_space<hbm>>
      tpu.wait_dma2 semaphore(%arg10 : memref<!tpu.dma_semaphore, #tpu.memory_space<semaphore_mem>>) src(%dma_wait3A_277 : memref<64x128xf32, #tpu.memory_space<hbm>>) dst(%dma_wait3A_274 : memref<64x128xf32, #tpu.memory_space<vmem>>)
      %mul3A_278 = arith.constant 8 : i32
      %mul3A_279 = arith.muli %scan3A_203, %mul3A_278 : i32
      %add3A_280 = arith.constant 1 : i32
      %add3A_281 = arith.addi %mul3A_279, %add3A_280 : i32
      %slice3A_282 = vector.extract_strided_slice %get3A_207 {offsets = [1], sizes = [1], strides = [1]} : vector<16xi32> to vector<1xi32>
      %squeeze3A_283 = vector.extract %slice3A_282[0] : i32 from vector<1xi32>
      %and3A_284 = arith.constant 127 : i32
      %and3A_285 = arith.andi %squeeze3A_283, %and3A_284 : i32
      %broadcast_in_dim3A_286 = vector.broadcast %and3A_285 : i32 to vector<16xi32>
      %broadcast_in_dim3A_287 = vector.broadcast %add3A_281 : i32 to vector<16xi32>
      %gather3A_288 = arith.constant 1 : i32
      %gather3A_289 = arith.constant 0 : i32
      %gather3A_290 = arith.constant 0 : i32
      %gather3A_291 = tpu.memref_slice %arg7[%gather3A_288, %gather3A_289, %gather3A_290] : memref<8x64x128xf32, #tpu.memory_space<vmem>> -> memref<1x64x128xf32, #tpu.memory_space<vmem>>
      %gather3A_292 = tpu.memref_squeeze %gather3A_291 : memref<1x64x128xf32, #tpu.memory_space<vmem>> -> memref<64x128xf32, #tpu.memory_space<vmem>>
      %gather3A_293 = tpu.vector_load_idx %gather3A_292[%add3A_185, %broadcast_in_dim3A_286] : memref<64x128xf32, #tpu.memory_space<vmem>>[vector<16xi32>, vector<16xi32>], vector<16xf32>,
      %gather3A_294 = arith.constant 1 : i32
      %gather3A_295 = arith.constant 0 : i32
      %gather3A_296 = arith.constant 0 : i32
      %gather3A_297 = tpu.memref_slice %arg7[%gather3A_294, %gather3A_295, %gather3A_296] : memref<8x64x128xf32, #tpu.memory_space<vmem>> -> memref<1x64x128xf32, #tpu.memory_space<vmem>>
      %gather3A_298 = tpu.memref_squeeze %gather3A_297 : memref<1x64x128xf32, #tpu.memory_space<vmem>> -> memref<64x128xf32, #tpu.memory_space<vmem>>
      %gather3A_299 = tpu.vector_load_idx %gather3A_298[%add3A_189, %broadcast_in_dim3A_286] : memref<64x128xf32, #tpu.memory_space<vmem>>[vector<16xi32>, vector<16xi32>], vector<16xf32>,
      %gather3A_300 = arith.constant 1 : i32
      %gather3A_301 = arith.constant 0 : i32
      %gather3A_302 = arith.constant 0 : i32
      %gather3A_303 = tpu.memref_slice %arg7[%gather3A_300, %gather3A_301, %gather3A_302] : memref<8x64x128xf32, #tpu.memory_space<vmem>> -> memref<1x64x128xf32, #tpu.memory_space<vmem>>
      %gather3A_304 = tpu.memref_squeeze %gather3A_303 : memref<1x64x128xf32, #tpu.memory_space<vmem>> -> memref<64x128xf32, #tpu.memory_space<vmem>>
      %gather3A_305 = tpu.vector_load_idx %gather3A_304[%add3A_193, %broadcast_in_dim3A_286] : memref<64x128xf32, #tpu.memory_space<vmem>>[vector<16xi32>, vector<16xi32>], vector<16xf32>,
      %gather3A_306 = arith.constant 1 : i32
      %gather3A_307 = arith.constant 0 : i32
      %gather3A_308 = arith.constant 0 : i32
      %gather3A_309 = tpu.memref_slice %arg7[%gather3A_306, %gather3A_307, %gather3A_308] : memref<8x64x128xf32, #tpu.memory_space<vmem>> -> memref<1x64x128xf32, #tpu.memory_space<vmem>>
      %gather3A_310 = tpu.memref_squeeze %gather3A_309 : memref<1x64x128xf32, #tpu.memory_space<vmem>> -> memref<64x128xf32, #tpu.memory_space<vmem>>
      %gather3A_311 = tpu.vector_load_idx %gather3A_310[%add3A_197, %broadcast_in_dim3A_286] : memref<64x128xf32, #tpu.memory_space<vmem>>[vector<16xi32>, vector<16xi32>], vector<16xf32>,
      %lt3A_312 = arith.constant 31 : i32
      %lt3A_313 = arith.cmpi slt, %scan3A_203, %lt3A_312 : i32
      %convert_element_type3A_314 = arith.extui %lt3A_313 : i1 to i32
      %cond3A_315 = arith.constant 0 : i32
      %cond3A_316 = arith.cmpi ne, %convert_element_type3A_314, %cond3A_315 : i32
      scf.if %cond3A_316 {
        %slice3A_641 = vector.extract_strided_slice %get3A_213 {offsets = [1], sizes = [1], strides = [1]} : vector<16xi32> to vector<1xi32>
        %squeeze3A_642 = vector.extract %slice3A_641[0] : i32 from vector<1xi32>
        %shift_right_arithmetic3A_643 = arith.constant 7 : i32
        %shift_right_arithmetic3A_644 = arith.shrsi %squeeze3A_642, %shift_right_arithmetic3A_643 : i32
        %shift_left3A_645 = arith.constant 7 : i32
        %shift_left3A_646 = arith.shli %shift_right_arithmetic3A_644, %shift_left3A_645 : i32
        %multiple_of3A_647 = tpu.assume_multiple %shift_left3A_646, 128 : i32
        %dma_start3A_648 = arith.constant 1 : i32
        %dma_start3A_649 = arith.constant 0 : i32
        %dma_start3A_650 = arith.constant 0 : i32
        %dma_start3A_651 = tpu.memref_slice %arg7[%dma_start3A_648, %dma_start3A_649, %dma_start3A_650] : memref<8x64x128xf32, #tpu.memory_space<vmem>> -> memref<1x64x128xf32, #tpu.memory_space<vmem>>
        %dma_start3A_652 = tpu.memref_squeeze %dma_start3A_651 : memref<1x64x128xf32, #tpu.memory_space<vmem>> -> memref<64x128xf32, #tpu.memory_space<vmem>>
        %dma_start3A_653 = arith.constant 0 : i32
        %dma_start3A_654 = tpu.memref_slice %arg3[%dma_start3A_653, %multiple_of3A_647] : memref<64x1000000xf32, #tpu.memory_space<hbm>> -> memref<64x128xf32, #tpu.memory_space<hbm>>
        %dma_start3A_655 = arith.constant 0 : i32
        %dma_start3A_656 = arith.constant 0 : i32
        %dma_start3A_657 = tpu.memref_slice %arg7[%dma_start3A_648, %dma_start3A_655, %dma_start3A_656] : memref<8x64x128xf32, #tpu.memory_space<vmem>> -> memref<1x64x128xf32, #tpu.memory_space<vmem>>
        %dma_start3A_658 = tpu.memref_squeeze %dma_start3A_657 : memref<1x64x128xf32, #tpu.memory_space<vmem>> -> memref<64x128xf32, #tpu.memory_space<vmem>>
        %dma_start3A_659 = arith.constant 0 : i32
        %dma_start3A_660 = tpu.memref_slice %arg3[%dma_start3A_659, %multiple_of3A_647] : memref<64x1000000xf32, #tpu.memory_space<hbm>> -> memref<64x128xf32, #tpu.memory_space<hbm>>
        tpu.enqueue_dma source(%dma_start3A_660 : memref<64x128xf32, #tpu.memory_space<hbm>>) target(%dma_start3A_658 : memref<64x128xf32, #tpu.memory_space<vmem>>) target_semaphore(%arg10 : memref<!tpu.dma_semaphore, #tpu.memory_space<semaphore_mem>>)
      } else {
      }
      tpu.vector_store_idx %arg8[%add3A_185, %broadcast_in_dim3A_287], %gather3A_293 {add = true} : memref<64x256xf32, #tpu.memory_space<vmem>>[vector<16xi32>, vector<16xi32>], vector<16xf32>,
      tpu.vector_store_idx %arg8[%add3A_189, %broadcast_in_dim3A_287], %gather3A_299 {add = true} : memref<64x256xf32, #tpu.memory_space<vmem>>[vector<16xi32>, vector<16xi32>], vector<16xf32>,
      tpu.vector_store_idx %arg8[%add3A_193, %broadcast_in_dim3A_287], %gather3A_305 {add = true} : memref<64x256xf32, #tpu.memory_space<vmem>>[vector<16xi32>, vector<16xi32>], vector<16xf32>,
      tpu.vector_store_idx %arg8[%add3A_197, %broadcast_in_dim3A_287], %gather3A_311 {add = true} : memref<64x256xf32, #tpu.memory_space<vmem>>[vector<16xi32>, vector<16xi32>], vector<16xf32>,
      %dma_wait3A_317 = arith.constant 2 : i32
      %dma_wait3A_318 = arith.constant 0 : i32
      %dma_wait3A_319 = arith.constant 0 : i32
      %dma_wait3A_320 = tpu.memref_slice %arg7[%dma_wait3A_317, %dma_wait3A_318, %dma_wait3A_319] : memref<8x64x128xf32, #tpu.memory_space<vmem>> -> memref<1x64x128xf32, #tpu.memory_space<vmem>>
      %dma_wait3A_321 = tpu.memref_squeeze %dma_wait3A_320 : memref<1x64x128xf32, #tpu.memory_space<vmem>> -> memref<64x128xf32, #tpu.memory_space<vmem>>
      %dma_wait3A_322 = arith.constant 0 : i32
      %dma_wait3A_323 = arith.constant 0 : i32
      %dma_wait3A_324 = tpu.memref_slice %arg3[%dma_wait3A_322, %dma_wait3A_323] : memref<64x1000000xf32, #tpu.memory_space<hbm>> -> memref<64x128xf32, #tpu.memory_space<hbm>>
      %dma_wait3A_325 = arith.constant 0 : i32
      %dma_wait3A_326 = arith.constant 0 : i32
      %dma_wait3A_327 = tpu.memref_slice %arg7[%dma_wait3A_317, %dma_wait3A_325, %dma_wait3A_326] : memref<8x64x128xf32, #tpu.memory_space<vmem>> -> memref<1x64x128xf32, #tpu.memory_space<vmem>>
      %dma_wait3A_328 = tpu.memref_squeeze %dma_wait3A_327 : memref<1x64x128xf32, #tpu.memory_space<vmem>> -> memref<64x128xf32, #tpu.memory_space<vmem>>
      %dma_wait3A_329 = arith.constant 0 : i32
      %dma_wait3A_330 = arith.constant 0 : i32
      %dma_wait3A_331 = tpu.memref_slice %arg3[%dma_wait3A_329, %dma_wait3A_330] : memref<64x1000000xf32, #tpu.memory_space<hbm>> -> memref<64x128xf32, #tpu.memory_space<hbm>>
      tpu.wait_dma2 semaphore(%arg11 : memref<!tpu.dma_semaphore, #tpu.memory_space<semaphore_mem>>) src(%dma_wait3A_331 : memref<64x128xf32, #tpu.memory_space<hbm>>) dst(%dma_wait3A_328 : memref<64x128xf32, #tpu.memory_space<vmem>>)
      %mul3A_332 = arith.constant 8 : i32
      %mul3A_333 = arith.muli %scan3A_203, %mul3A_332 : i32
      %add3A_334 = arith.constant 2 : i32
      %add3A_335 = arith.addi %mul3A_333, %add3A_334 : i32
      %slice3A_336 = vector.extract_strided_slice %get3A_207 {offsets = [2], sizes = [1], strides = [1]} : vector<16xi32> to vector<1xi32>
      %squeeze3A_337 = vector.extract %slice3A_336[0] : i32 from vector<1xi32>
      %and3A_338 = arith.constant 127 : i32
      %and3A_339 = arith.andi %squeeze3A_337, %and3A_338 : i32
      %broadcast_in_dim3A_340 = vector.broadcast %and3A_339 : i32 to vector<16xi32>
      %broadcast_in_dim3A_341 = vector.broadcast %add3A_335 : i32 to vector<16xi32>
      %gather3A_342 = arith.constant 2 : i32
      %gather3A_343 = arith.constant 0 : i32
      %gather3A_344 = arith.constant 0 : i32
      %gather3A_345 = tpu.memref_slice %arg7[%gather3A_342, %gather3A_343, %gather3A_344] : memref<8x64x128xf32, #tpu.memory_space<vmem>> -> memref<1x64x128xf32, #tpu.memory_space<vmem>>
      %gather3A_346 = tpu.memref_squeeze %gather3A_345 : memref<1x64x128xf32, #tpu.memory_space<vmem>> -> memref<64x128xf32, #tpu.memory_space<vmem>>
      %gather3A_347 = tpu.vector_load_idx %gather3A_346[%add3A_185, %broadcast_in_dim3A_340] : memref<64x128xf32, #tpu.memory_space<vmem>>[vector<16xi32>, vector<16xi32>], vector<16xf32>,
      %gather3A_348 = arith.constant 2 : i32
      %gather3A_349 = arith.constant 0 : i32
      %gather3A_350 = arith.constant 0 : i32
      %gather3A_351 = tpu.memref_slice %arg7[%gather3A_348, %gather3A_349, %gather3A_350] : memref<8x64x128xf32, #tpu.memory_space<vmem>> -> memref<1x64x128xf32, #tpu.memory_space<vmem>>
      %gather3A_352 = tpu.memref_squeeze %gather3A_351 : memref<1x64x128xf32, #tpu.memory_space<vmem>> -> memref<64x128xf32, #tpu.memory_space<vmem>>
      %gather3A_353 = tpu.vector_load_idx %gather3A_352[%add3A_189, %broadcast_in_dim3A_340] : memref<64x128xf32, #tpu.memory_space<vmem>>[vector<16xi32>, vector<16xi32>], vector<16xf32>,
      %gather3A_354 = arith.constant 2 : i32
      %gather3A_355 = arith.constant 0 : i32
      %gather3A_356 = arith.constant 0 : i32
      %gather3A_357 = tpu.memref_slice %arg7[%gather3A_354, %gather3A_355, %gather3A_356] : memref<8x64x128xf32, #tpu.memory_space<vmem>> -> memref<1x64x128xf32, #tpu.memory_space<vmem>>
      %gather3A_358 = tpu.memref_squeeze %gather3A_357 : memref<1x64x128xf32, #tpu.memory_space<vmem>> -> memref<64x128xf32, #tpu.memory_space<vmem>>
      %gather3A_359 = tpu.vector_load_idx %gather3A_358[%add3A_193, %broadcast_in_dim3A_340] : memref<64x128xf32, #tpu.memory_space<vmem>>[vector<16xi32>, vector<16xi32>], vector<16xf32>,
      %gather3A_360 = arith.constant 2 : i32
      %gather3A_361 = arith.constant 0 : i32
      %gather3A_362 = arith.constant 0 : i32
      %gather3A_363 = tpu.memref_slice %arg7[%gather3A_360, %gather3A_361, %gather3A_362] : memref<8x64x128xf32, #tpu.memory_space<vmem>> -> memref<1x64x128xf32, #tpu.memory_space<vmem>>
      %gather3A_364 = tpu.memref_squeeze %gather3A_363 : memref<1x64x128xf32, #tpu.memory_space<vmem>> -> memref<64x128xf32, #tpu.memory_space<vmem>>
      %gather3A_365 = tpu.vector_load_idx %gather3A_364[%add3A_197, %broadcast_in_dim3A_340] : memref<64x128xf32, #tpu.memory_space<vmem>>[vector<16xi32>, vector<16xi32>], vector<16xf32>,
      %lt3A_366 = arith.constant 31 : i32
      %lt3A_367 = arith.cmpi slt, %scan3A_203, %lt3A_366 : i32
      %convert_element_type3A_368 = arith.extui %lt3A_367 : i1 to i32
      %cond3A_369 = arith.constant 0 : i32
      %cond3A_370 = arith.cmpi ne, %convert_element_type3A_368, %cond3A_369 : i32
      scf.if %cond3A_370 {
        %slice3A_641 = vector.extract_strided_slice %get3A_213 {offsets = [2], sizes = [1], strides = [1]} : vector<16xi32> to vector<1xi32>
        %squeeze3A_642 = vector.extract %slice3A_641[0] : i32 from vector<1xi32>
        %shift_right_arithmetic3A_643 = arith.constant 7 : i32
        %shift_right_arithmetic3A_644 = arith.shrsi %squeeze3A_642, %shift_right_arithmetic3A_643 : i32
        %shift_left3A_645 = arith.constant 7 : i32
        %shift_left3A_646 = arith.shli %shift_right_arithmetic3A_644, %shift_left3A_645 : i32
        %multiple_of3A_647 = tpu.assume_multiple %shift_left3A_646, 128 : i32
        %dma_start3A_648 = arith.constant 2 : i32
        %dma_start3A_649 = arith.constant 0 : i32
        %dma_start3A_650 = arith.constant 0 : i32
        %dma_start3A_651 = tpu.memref_slice %arg7[%dma_start3A_648, %dma_start3A_649, %dma_start3A_650] : memref<8x64x128xf32, #tpu.memory_space<vmem>> -> memref<1x64x128xf32, #tpu.memory_space<vmem>>
        %dma_start3A_652 = tpu.memref_squeeze %dma_start3A_651 : memref<1x64x128xf32, #tpu.memory_space<vmem>> -> memref<64x128xf32, #tpu.memory_space<vmem>>
        %dma_start3A_653 = arith.constant 0 : i32
        %dma_start3A_654 = tpu.memref_slice %arg3[%dma_start3A_653, %multiple_of3A_647] : memref<64x1000000xf32, #tpu.memory_space<hbm>> -> memref<64x128xf32, #tpu.memory_space<hbm>>
        %dma_start3A_655 = arith.constant 0 : i32
        %dma_start3A_656 = arith.constant 0 : i32
        %dma_start3A_657 = tpu.memref_slice %arg7[%dma_start3A_648, %dma_start3A_655, %dma_start3A_656] : memref<8x64x128xf32, #tpu.memory_space<vmem>> -> memref<1x64x128xf32, #tpu.memory_space<vmem>>
        %dma_start3A_658 = tpu.memref_squeeze %dma_start3A_657 : memref<1x64x128xf32, #tpu.memory_space<vmem>> -> memref<64x128xf32, #tpu.memory_space<vmem>>
        %dma_start3A_659 = arith.constant 0 : i32
        %dma_start3A_660 = tpu.memref_slice %arg3[%dma_start3A_659, %multiple_of3A_647] : memref<64x1000000xf32, #tpu.memory_space<hbm>> -> memref<64x128xf32, #tpu.memory_space<hbm>>
        tpu.enqueue_dma source(%dma_start3A_660 : memref<64x128xf32, #tpu.memory_space<hbm>>) target(%dma_start3A_658 : memref<64x128xf32, #tpu.memory_space<vmem>>) target_semaphore(%arg11 : memref<!tpu.dma_semaphore, #tpu.memory_space<semaphore_mem>>)
      } else {
      }
      tpu.vector_store_idx %arg8[%add3A_185, %broadcast_in_dim3A_341], %gather3A_347 {add = true} : memref<64x256xf32, #tpu.memory_space<vmem>>[vector<16xi32>, vector<16xi32>], vector<16xf32>,
      tpu.vector_store_idx %arg8[%add3A_189, %broadcast_in_dim3A_341], %gather3A_353 {add = true} : memref<64x256xf32, #tpu.memory_space<vmem>>[vector<16xi32>, vector<16xi32>], vector<16xf32>,
      tpu.vector_store_idx %arg8[%add3A_193, %broadcast_in_dim3A_341], %gather3A_359 {add = true} : memref<64x256xf32, #tpu.memory_space<vmem>>[vector<16xi32>, vector<16xi32>], vector<16xf32>,
      tpu.vector_store_idx %arg8[%add3A_197, %broadcast_in_dim3A_341], %gather3A_365 {add = true} : memref<64x256xf32, #tpu.memory_space<vmem>>[vector<16xi32>, vector<16xi32>], vector<16xf32>,
      %dma_wait3A_371 = arith.constant 3 : i32
      %dma_wait3A_372 = arith.constant 0 : i32
      %dma_wait3A_373 = arith.constant 0 : i32
      %dma_wait3A_374 = tpu.memref_slice %arg7[%dma_wait3A_371, %dma_wait3A_372, %dma_wait3A_373] : memref<8x64x128xf32, #tpu.memory_space<vmem>> -> memref<1x64x128xf32, #tpu.memory_space<vmem>>
      %dma_wait3A_375 = tpu.memref_squeeze %dma_wait3A_374 : memref<1x64x128xf32, #tpu.memory_space<vmem>> -> memref<64x128xf32, #tpu.memory_space<vmem>>
      %dma_wait3A_376 = arith.constant 0 : i32
      %dma_wait3A_377 = arith.constant 0 : i32
      %dma_wait3A_378 = tpu.memref_slice %arg3[%dma_wait3A_376, %dma_wait3A_377] : memref<64x1000000xf32, #tpu.memory_space<hbm>> -> memref<64x128xf32, #tpu.memory_space<hbm>>
      %dma_wait3A_379 = arith.constant 0 : i32
      %dma_wait3A_380 = arith.constant 0 : i32
      %dma_wait3A_381 = tpu.memref_slice %arg7[%dma_wait3A_371, %dma_wait3A_379, %dma_wait3A_380] : memref<8x64x128xf32, #tpu.memory_space<vmem>> -> memref<1x64x128xf32, #tpu.memory_space<vmem>>
      %dma_wait3A_382 = tpu.memref_squeeze %dma_wait3A_381 : memref<1x64x128xf32, #tpu.memory_space<vmem>> -> memref<64x128xf32, #tpu.memory_space<vmem>>
      %dma_wait3A_383 = arith.constant 0 : i32
      %dma_wait3A_384 = arith.constant 0 : i32
      %dma_wait3A_385 = tpu.memref_slice %arg3[%dma_wait3A_383, %dma_wait3A_384] : memref<64x1000000xf32, #tpu.memory_space<hbm>> -> memref<64x128xf32, #tpu.memory_space<hbm>>
      tpu.wait_dma2 semaphore(%arg12 : memref<!tpu.dma_semaphore, #tpu.memory_space<semaphore_mem>>) src(%dma_wait3A_385 : memref<64x128xf32, #tpu.memory_space<hbm>>) dst(%dma_wait3A_382 : memref<64x128xf32, #tpu.memory_space<vmem>>)
      %mul3A_386 = arith.constant 8 : i32
      %mul3A_387 = arith.muli %scan3A_203, %mul3A_386 : i32
      %add3A_388 = arith.constant 3 : i32
      %add3A_389 = arith.addi %mul3A_387, %add3A_388 : i32
      %slice3A_390 = vector.extract_strided_slice %get3A_207 {offsets = [3], sizes = [1], strides = [1]} : vector<16xi32> to vector<1xi32>
      %squeeze3A_391 = vector.extract %slice3A_390[0] : i32 from vector<1xi32>
      %and3A_392 = arith.constant 127 : i32
      %and3A_393 = arith.andi %squeeze3A_391, %and3A_392 : i32
      %broadcast_in_dim3A_394 = vector.broadcast %and3A_393 : i32 to vector<16xi32>
      %broadcast_in_dim3A_395 = vector.broadcast %add3A_389 : i32 to vector<16xi32>
      %gather3A_396 = arith.constant 3 : i32
      %gather3A_397 = arith.constant 0 : i32
      %gather3A_398 = arith.constant 0 : i32
      %gather3A_399 = tpu.memref_slice %arg7[%gather3A_396, %gather3A_397, %gather3A_398] : memref<8x64x128xf32, #tpu.memory_space<vmem>> -> memref<1x64x128xf32, #tpu.memory_space<vmem>>
      %gather3A_400 = tpu.memref_squeeze %gather3A_399 : memref<1x64x128xf32, #tpu.memory_space<vmem>> -> memref<64x128xf32, #tpu.memory_space<vmem>>
      %gather3A_401 = tpu.vector_load_idx %gather3A_400[%add3A_185, %broadcast_in_dim3A_394] : memref<64x128xf32, #tpu.memory_space<vmem>>[vector<16xi32>, vector<16xi32>], vector<16xf32>,
      %gather3A_402 = arith.constant 3 : i32
      %gather3A_403 = arith.constant 0 : i32
      %gather3A_404 = arith.constant 0 : i32
      %gather3A_405 = tpu.memref_slice %arg7[%gather3A_402, %gather3A_403, %gather3A_404] : memref<8x64x128xf32, #tpu.memory_space<vmem>> -> memref<1x64x128xf32, #tpu.memory_space<vmem>>
      %gather3A_406 = tpu.memref_squeeze %gather3A_405 : memref<1x64x128xf32, #tpu.memory_space<vmem>> -> memref<64x128xf32, #tpu.memory_space<vmem>>
      %gather3A_407 = tpu.vector_load_idx %gather3A_406[%add3A_189, %broadcast_in_dim3A_394] : memref<64x128xf32, #tpu.memory_space<vmem>>[vector<16xi32>, vector<16xi32>], vector<16xf32>,
      %gather3A_408 = arith.constant 3 : i32
      %gather3A_409 = arith.constant 0 : i32
      %gather3A_410 = arith.constant 0 : i32
      %gather3A_411 = tpu.memref_slice %arg7[%gather3A_408, %gather3A_409, %gather3A_410] : memref<8x64x128xf32, #tpu.memory_space<vmem>> -> memref<1x64x128xf32, #tpu.memory_space<vmem>>
      %gather3A_412 = tpu.memref_squeeze %gather3A_411 : memref<1x64x128xf32, #tpu.memory_space<vmem>> -> memref<64x128xf32, #tpu.memory_space<vmem>>
      %gather3A_413 = tpu.vector_load_idx %gather3A_412[%add3A_193, %broadcast_in_dim3A_394] : memref<64x128xf32, #tpu.memory_space<vmem>>[vector<16xi32>, vector<16xi32>], vector<16xf32>,
      %gather3A_414 = arith.constant 3 : i32
      %gather3A_415 = arith.constant 0 : i32
      %gather3A_416 = arith.constant 0 : i32
      %gather3A_417 = tpu.memref_slice %arg7[%gather3A_414, %gather3A_415, %gather3A_416] : memref<8x64x128xf32, #tpu.memory_space<vmem>> -> memref<1x64x128xf32, #tpu.memory_space<vmem>>
      %gather3A_418 = tpu.memref_squeeze %gather3A_417 : memref<1x64x128xf32, #tpu.memory_space<vmem>> -> memref<64x128xf32, #tpu.memory_space<vmem>>
      %gather3A_419 = tpu.vector_load_idx %gather3A_418[%add3A_197, %broadcast_in_dim3A_394] : memref<64x128xf32, #tpu.memory_space<vmem>>[vector<16xi32>, vector<16xi32>], vector<16xf32>,
      %lt3A_420 = arith.constant 31 : i32
      %lt3A_421 = arith.cmpi slt, %scan3A_203, %lt3A_420 : i32
      %convert_element_type3A_422 = arith.extui %lt3A_421 : i1 to i32
      %cond3A_423 = arith.constant 0 : i32
      %cond3A_424 = arith.cmpi ne, %convert_element_type3A_422, %cond3A_423 : i32
      scf.if %cond3A_424 {
        %slice3A_641 = vector.extract_strided_slice %get3A_213 {offsets = [3], sizes = [1], strides = [1]} : vector<16xi32> to vector<1xi32>
        %squeeze3A_642 = vector.extract %slice3A_641[0] : i32 from vector<1xi32>
        %shift_right_arithmetic3A_643 = arith.constant 7 : i32
        %shift_right_arithmetic3A_644 = arith.shrsi %squeeze3A_642, %shift_right_arithmetic3A_643 : i32
        %shift_left3A_645 = arith.constant 7 : i32
        %shift_left3A_646 = arith.shli %shift_right_arithmetic3A_644, %shift_left3A_645 : i32
        %multiple_of3A_647 = tpu.assume_multiple %shift_left3A_646, 128 : i32
        %dma_start3A_648 = arith.constant 3 : i32
        %dma_start3A_649 = arith.constant 0 : i32
        %dma_start3A_650 = arith.constant 0 : i32
        %dma_start3A_651 = tpu.memref_slice %arg7[%dma_start3A_648, %dma_start3A_649, %dma_start3A_650] : memref<8x64x128xf32, #tpu.memory_space<vmem>> -> memref<1x64x128xf32, #tpu.memory_space<vmem>>
        %dma_start3A_652 = tpu.memref_squeeze %dma_start3A_651 : memref<1x64x128xf32, #tpu.memory_space<vmem>> -> memref<64x128xf32, #tpu.memory_space<vmem>>
        %dma_start3A_653 = arith.constant 0 : i32
        %dma_start3A_654 = tpu.memref_slice %arg3[%dma_start3A_653, %multiple_of3A_647] : memref<64x1000000xf32, #tpu.memory_space<hbm>> -> memref<64x128xf32, #tpu.memory_space<hbm>>
        %dma_start3A_655 = arith.constant 0 : i32
        %dma_start3A_656 = arith.constant 0 : i32
        %dma_start3A_657 = tpu.memref_slice %arg7[%dma_start3A_648, %dma_start3A_655, %dma_start3A_656] : memref<8x64x128xf32, #tpu.memory_space<vmem>> -> memref<1x64x128xf32, #tpu.memory_space<vmem>>
        %dma_start3A_658 = tpu.memref_squeeze %dma_start3A_657 : memref<1x64x128xf32, #tpu.memory_space<vmem>> -> memref<64x128xf32, #tpu.memory_space<vmem>>
        %dma_start3A_659 = arith.constant 0 : i32
        %dma_start3A_660 = tpu.memref_slice %arg3[%dma_start3A_659, %multiple_of3A_647] : memref<64x1000000xf32, #tpu.memory_space<hbm>> -> memref<64x128xf32, #tpu.memory_space<hbm>>
        tpu.enqueue_dma source(%dma_start3A_660 : memref<64x128xf32, #tpu.memory_space<hbm>>) target(%dma_start3A_658 : memref<64x128xf32, #tpu.memory_space<vmem>>) target_semaphore(%arg12 : memref<!tpu.dma_semaphore, #tpu.memory_space<semaphore_mem>>)
      } else {
      }
      tpu.vector_store_idx %arg8[%add3A_185, %broadcast_in_dim3A_395], %gather3A_401 {add = true} : memref<64x256xf32, #tpu.memory_space<vmem>>[vector<16xi32>, vector<16xi32>], vector<16xf32>,
      tpu.vector_store_idx %arg8[%add3A_189, %broadcast_in_dim3A_395], %gather3A_407 {add = true} : memref<64x256xf32, #tpu.memory_space<vmem>>[vector<16xi32>, vector<16xi32>], vector<16xf32>,
      tpu.vector_store_idx %arg8[%add3A_193, %broadcast_in_dim3A_395], %gather3A_413 {add = true} : memref<64x256xf32, #tpu.memory_space<vmem>>[vector<16xi32>, vector<16xi32>], vector<16xf32>,
      tpu.vector_store_idx %arg8[%add3A_197, %broadcast_in_dim3A_395], %gather3A_419 {add = true} : memref<64x256xf32, #tpu.memory_space<vmem>>[vector<16xi32>, vector<16xi32>], vector<16xf32>,
      %dma_wait3A_425 = arith.constant 4 : i32
      %dma_wait3A_426 = arith.constant 0 : i32
      %dma_wait3A_427 = arith.constant 0 : i32
      %dma_wait3A_428 = tpu.memref_slice %arg7[%dma_wait3A_425, %dma_wait3A_426, %dma_wait3A_427] : memref<8x64x128xf32, #tpu.memory_space<vmem>> -> memref<1x64x128xf32, #tpu.memory_space<vmem>>
      %dma_wait3A_429 = tpu.memref_squeeze %dma_wait3A_428 : memref<1x64x128xf32, #tpu.memory_space<vmem>> -> memref<64x128xf32, #tpu.memory_space<vmem>>
      %dma_wait3A_430 = arith.constant 0 : i32
      %dma_wait3A_431 = arith.constant 0 : i32
      %dma_wait3A_432 = tpu.memref_slice %arg3[%dma_wait3A_430, %dma_wait3A_431] : memref<64x1000000xf32, #tpu.memory_space<hbm>> -> memref<64x128xf32, #tpu.memory_space<hbm>>
      %dma_wait3A_433 = arith.constant 0 : i32
      %dma_wait3A_434 = arith.constant 0 : i32
      %dma_wait3A_435 = tpu.memref_slice %arg7[%dma_wait3A_425, %dma_wait3A_433, %dma_wait3A_434] : memref<8x64x128xf32, #tpu.memory_space<vmem>> -> memref<1x64x128xf32, #tpu.memory_space<vmem>>
      %dma_wait3A_436 = tpu.memref_squeeze %dma_wait3A_435 : memref<1x64x128xf32, #tpu.memory_space<vmem>> -> memref<64x128xf32, #tpu.memory_space<vmem>>
      %dma_wait3A_437 = arith.constant 0 : i32
      %dma_wait3A_438 = arith.constant 0 : i32
      %dma_wait3A_439 = tpu.memref_slice %arg3[%dma_wait3A_437, %dma_wait3A_438] : memref<64x1000000xf32, #tpu.memory_space<hbm>> -> memref<64x128xf32, #tpu.memory_space<hbm>>
      tpu.wait_dma2 semaphore(%arg13 : memref<!tpu.dma_semaphore, #tpu.memory_space<semaphore_mem>>) src(%dma_wait3A_439 : memref<64x128xf32, #tpu.memory_space<hbm>>) dst(%dma_wait3A_436 : memref<64x128xf32, #tpu.memory_space<vmem>>)
      %mul3A_440 = arith.constant 8 : i32
      %mul3A_441 = arith.muli %scan3A_203, %mul3A_440 : i32
      %add3A_442 = arith.constant 4 : i32
      %add3A_443 = arith.addi %mul3A_441, %add3A_442 : i32
      %slice3A_444 = vector.extract_strided_slice %get3A_207 {offsets = [4], sizes = [1], strides = [1]} : vector<16xi32> to vector<1xi32>
      %squeeze3A_445 = vector.extract %slice3A_444[0] : i32 from vector<1xi32>
      %and3A_446 = arith.constant 127 : i32
      %and3A_447 = arith.andi %squeeze3A_445, %and3A_446 : i32
      %broadcast_in_dim3A_448 = vector.broadcast %and3A_447 : i32 to vector<16xi32>
      %broadcast_in_dim3A_449 = vector.broadcast %add3A_443 : i32 to vector<16xi32>
      %gather3A_450 = arith.constant 4 : i32
      %gather3A_451 = arith.constant 0 : i32
      %gather3A_452 = arith.constant 0 : i32
      %gather3A_453 = tpu.memref_slice %arg7[%gather3A_450, %gather3A_451, %gather3A_452] : memref<8x64x128xf32, #tpu.memory_space<vmem>> -> memref<1x64x128xf32, #tpu.memory_space<vmem>>
      %gather3A_454 = tpu.memref_squeeze %gather3A_453 : memref<1x64x128xf32, #tpu.memory_space<vmem>> -> memref<64x128xf32, #tpu.memory_space<vmem>>
      %gather3A_455 = tpu.vector_load_idx %gather3A_454[%add3A_185, %broadcast_in_dim3A_448] : memref<64x128xf32, #tpu.memory_space<vmem>>[vector<16xi32>, vector<16xi32>], vector<16xf32>,
      %gather3A_456 = arith.constant 4 : i32
      %gather3A_457 = arith.constant 0 : i32
      %gather3A_458 = arith.constant 0 : i32
      %gather3A_459 = tpu.memref_slice %arg7[%gather3A_456, %gather3A_457, %gather3A_458] : memref<8x64x128xf32, #tpu.memory_space<vmem>> -> memref<1x64x128xf32, #tpu.memory_space<vmem>>
      %gather3A_460 = tpu.memref_squeeze %gather3A_459 : memref<1x64x128xf32, #tpu.memory_space<vmem>> -> memref<64x128xf32, #tpu.memory_space<vmem>>
      %gather3A_461 = tpu.vector_load_idx %gather3A_460[%add3A_189, %broadcast_in_dim3A_448] : memref<64x128xf32, #tpu.memory_space<vmem>>[vector<16xi32>, vector<16xi32>], vector<16xf32>,
      %gather3A_462 = arith.constant 4 : i32
      %gather3A_463 = arith.constant 0 : i32
      %gather3A_464 = arith.constant 0 : i32
      %gather3A_465 = tpu.memref_slice %arg7[%gather3A_462, %gather3A_463, %gather3A_464] : memref<8x64x128xf32, #tpu.memory_space<vmem>> -> memref<1x64x128xf32, #tpu.memory_space<vmem>>
      %gather3A_466 = tpu.memref_squeeze %gather3A_465 : memref<1x64x128xf32, #tpu.memory_space<vmem>> -> memref<64x128xf32, #tpu.memory_space<vmem>>
      %gather3A_467 = tpu.vector_load_idx %gather3A_466[%add3A_193, %broadcast_in_dim3A_448] : memref<64x128xf32, #tpu.memory_space<vmem>>[vector<16xi32>, vector<16xi32>], vector<16xf32>,
      %gather3A_468 = arith.constant 4 : i32
      %gather3A_469 = arith.constant 0 : i32
      %gather3A_470 = arith.constant 0 : i32
      %gather3A_471 = tpu.memref_slice %arg7[%gather3A_468, %gather3A_469, %gather3A_470] : memref<8x64x128xf32, #tpu.memory_space<vmem>> -> memref<1x64x128xf32, #tpu.memory_space<vmem>>
      %gather3A_472 = tpu.memref_squeeze %gather3A_471 : memref<1x64x128xf32, #tpu.memory_space<vmem>> -> memref<64x128xf32, #tpu.memory_space<vmem>>
      %gather3A_473 = tpu.vector_load_idx %gather3A_472[%add3A_197, %broadcast_in_dim3A_448] : memref<64x128xf32, #tpu.memory_space<vmem>>[vector<16xi32>, vector<16xi32>], vector<16xf32>,
      %lt3A_474 = arith.constant 31 : i32
      %lt3A_475 = arith.cmpi slt, %scan3A_203, %lt3A_474 : i32
      %convert_element_type3A_476 = arith.extui %lt3A_475 : i1 to i32
      %cond3A_477 = arith.constant 0 : i32
      %cond3A_478 = arith.cmpi ne, %convert_element_type3A_476, %cond3A_477 : i32
      scf.if %cond3A_478 {
        %slice3A_641 = vector.extract_strided_slice %get3A_213 {offsets = [4], sizes = [1], strides = [1]} : vector<16xi32> to vector<1xi32>
        %squeeze3A_642 = vector.extract %slice3A_641[0] : i32 from vector<1xi32>
        %shift_right_arithmetic3A_643 = arith.constant 7 : i32
        %shift_right_arithmetic3A_644 = arith.shrsi %squeeze3A_642, %shift_right_arithmetic3A_643 : i32
        %shift_left3A_645 = arith.constant 7 : i32
        %shift_left3A_646 = arith.shli %shift_right_arithmetic3A_644, %shift_left3A_645 : i32
        %multiple_of3A_647 = tpu.assume_multiple %shift_left3A_646, 128 : i32
        %dma_start3A_648 = arith.constant 4 : i32
        %dma_start3A_649 = arith.constant 0 : i32
        %dma_start3A_650 = arith.constant 0 : i32
        %dma_start3A_651 = tpu.memref_slice %arg7[%dma_start3A_648, %dma_start3A_649, %dma_start3A_650] : memref<8x64x128xf32, #tpu.memory_space<vmem>> -> memref<1x64x128xf32, #tpu.memory_space<vmem>>
        %dma_start3A_652 = tpu.memref_squeeze %dma_start3A_651 : memref<1x64x128xf32, #tpu.memory_space<vmem>> -> memref<64x128xf32, #tpu.memory_space<vmem>>
        %dma_start3A_653 = arith.constant 0 : i32
        %dma_start3A_654 = tpu.memref_slice %arg3[%dma_start3A_653, %multiple_of3A_647] : memref<64x1000000xf32, #tpu.memory_space<hbm>> -> memref<64x128xf32, #tpu.memory_space<hbm>>
        %dma_start3A_655 = arith.constant 0 : i32
        %dma_start3A_656 = arith.constant 0 : i32
        %dma_start3A_657 = tpu.memref_slice %arg7[%dma_start3A_648, %dma_start3A_655, %dma_start3A_656] : memref<8x64x128xf32, #tpu.memory_space<vmem>> -> memref<1x64x128xf32, #tpu.memory_space<vmem>>
        %dma_start3A_658 = tpu.memref_squeeze %dma_start3A_657 : memref<1x64x128xf32, #tpu.memory_space<vmem>> -> memref<64x128xf32, #tpu.memory_space<vmem>>
        %dma_start3A_659 = arith.constant 0 : i32
        %dma_start3A_660 = tpu.memref_slice %arg3[%dma_start3A_659, %multiple_of3A_647] : memref<64x1000000xf32, #tpu.memory_space<hbm>> -> memref<64x128xf32, #tpu.memory_space<hbm>>
        tpu.enqueue_dma source(%dma_start3A_660 : memref<64x128xf32, #tpu.memory_space<hbm>>) target(%dma_start3A_658 : memref<64x128xf32, #tpu.memory_space<vmem>>) target_semaphore(%arg13 : memref<!tpu.dma_semaphore, #tpu.memory_space<semaphore_mem>>)
      } else {
      }
      tpu.vector_store_idx %arg8[%add3A_185, %broadcast_in_dim3A_449], %gather3A_455 {add = true} : memref<64x256xf32, #tpu.memory_space<vmem>>[vector<16xi32>, vector<16xi32>], vector<16xf32>,
      tpu.vector_store_idx %arg8[%add3A_189, %broadcast_in_dim3A_449], %gather3A_461 {add = true} : memref<64x256xf32, #tpu.memory_space<vmem>>[vector<16xi32>, vector<16xi32>], vector<16xf32>,
      tpu.vector_store_idx %arg8[%add3A_193, %broadcast_in_dim3A_449], %gather3A_467 {add = true} : memref<64x256xf32, #tpu.memory_space<vmem>>[vector<16xi32>, vector<16xi32>], vector<16xf32>,
      tpu.vector_store_idx %arg8[%add3A_197, %broadcast_in_dim3A_449], %gather3A_473 {add = true} : memref<64x256xf32, #tpu.memory_space<vmem>>[vector<16xi32>, vector<16xi32>], vector<16xf32>,
      %dma_wait3A_479 = arith.constant 5 : i32
      %dma_wait3A_480 = arith.constant 0 : i32
      %dma_wait3A_481 = arith.constant 0 : i32
      %dma_wait3A_482 = tpu.memref_slice %arg7[%dma_wait3A_479, %dma_wait3A_480, %dma_wait3A_481] : memref<8x64x128xf32, #tpu.memory_space<vmem>> -> memref<1x64x128xf32, #tpu.memory_space<vmem>>
      %dma_wait3A_483 = tpu.memref_squeeze %dma_wait3A_482 : memref<1x64x128xf32, #tpu.memory_space<vmem>> -> memref<64x128xf32, #tpu.memory_space<vmem>>
      %dma_wait3A_484 = arith.constant 0 : i32
      %dma_wait3A_485 = arith.constant 0 : i32
      %dma_wait3A_486 = tpu.memref_slice %arg3[%dma_wait3A_484, %dma_wait3A_485] : memref<64x1000000xf32, #tpu.memory_space<hbm>> -> memref<64x128xf32, #tpu.memory_space<hbm>>
      %dma_wait3A_487 = arith.constant 0 : i32
      %dma_wait3A_488 = arith.constant 0 : i32
      %dma_wait3A_489 = tpu.memref_slice %arg7[%dma_wait3A_479, %dma_wait3A_487, %dma_wait3A_488] : memref<8x64x128xf32, #tpu.memory_space<vmem>> -> memref<1x64x128xf32, #tpu.memory_space<vmem>>
      %dma_wait3A_490 = tpu.memref_squeeze %dma_wait3A_489 : memref<1x64x128xf32, #tpu.memory_space<vmem>> -> memref<64x128xf32, #tpu.memory_space<vmem>>
      %dma_wait3A_491 = arith.constant 0 : i32
      %dma_wait3A_492 = arith.constant 0 : i32
      %dma_wait3A_493 = tpu.memref_slice %arg3[%dma_wait3A_491, %dma_wait3A_492] : memref<64x1000000xf32, #tpu.memory_space<hbm>> -> memref<64x128xf32, #tpu.memory_space<hbm>>
      tpu.wait_dma2 semaphore(%arg14 : memref<!tpu.dma_semaphore, #tpu.memory_space<semaphore_mem>>) src(%dma_wait3A_493 : memref<64x128xf32, #tpu.memory_space<hbm>>) dst(%dma_wait3A_490 : memref<64x128xf32, #tpu.memory_space<vmem>>)
      %mul3A_494 = arith.constant 8 : i32
      %mul3A_495 = arith.muli %scan3A_203, %mul3A_494 : i32
      %add3A_496 = arith.constant 5 : i32
      %add3A_497 = arith.addi %mul3A_495, %add3A_496 : i32
      %slice3A_498 = vector.extract_strided_slice %get3A_207 {offsets = [5], sizes = [1], strides = [1]} : vector<16xi32> to vector<1xi32>
      %squeeze3A_499 = vector.extract %slice3A_498[0] : i32 from vector<1xi32>
      %and3A_500 = arith.constant 127 : i32
      %and3A_501 = arith.andi %squeeze3A_499, %and3A_500 : i32
      %broadcast_in_dim3A_502 = vector.broadcast %and3A_501 : i32 to vector<16xi32>
      %broadcast_in_dim3A_503 = vector.broadcast %add3A_497 : i32 to vector<16xi32>
      %gather3A_504 = arith.constant 5 : i32
      %gather3A_505 = arith.constant 0 : i32
      %gather3A_506 = arith.constant 0 : i32
      %gather3A_507 = tpu.memref_slice %arg7[%gather3A_504, %gather3A_505, %gather3A_506] : memref<8x64x128xf32, #tpu.memory_space<vmem>> -> memref<1x64x128xf32, #tpu.memory_space<vmem>>
      %gather3A_508 = tpu.memref_squeeze %gather3A_507 : memref<1x64x128xf32, #tpu.memory_space<vmem>> -> memref<64x128xf32, #tpu.memory_space<vmem>>
      %gather3A_509 = tpu.vector_load_idx %gather3A_508[%add3A_185, %broadcast_in_dim3A_502] : memref<64x128xf32, #tpu.memory_space<vmem>>[vector<16xi32>, vector<16xi32>], vector<16xf32>,
      %gather3A_510 = arith.constant 5 : i32
      %gather3A_511 = arith.constant 0 : i32
      %gather3A_512 = arith.constant 0 : i32
      %gather3A_513 = tpu.memref_slice %arg7[%gather3A_510, %gather3A_511, %gather3A_512] : memref<8x64x128xf32, #tpu.memory_space<vmem>> -> memref<1x64x128xf32, #tpu.memory_space<vmem>>
      %gather3A_514 = tpu.memref_squeeze %gather3A_513 : memref<1x64x128xf32, #tpu.memory_space<vmem>> -> memref<64x128xf32, #tpu.memory_space<vmem>>
      %gather3A_515 = tpu.vector_load_idx %gather3A_514[%add3A_189, %broadcast_in_dim3A_502] : memref<64x128xf32, #tpu.memory_space<vmem>>[vector<16xi32>, vector<16xi32>], vector<16xf32>,
      %gather3A_516 = arith.constant 5 : i32
      %gather3A_517 = arith.constant 0 : i32
      %gather3A_518 = arith.constant 0 : i32
      %gather3A_519 = tpu.memref_slice %arg7[%gather3A_516, %gather3A_517, %gather3A_518] : memref<8x64x128xf32, #tpu.memory_space<vmem>> -> memref<1x64x128xf32, #tpu.memory_space<vmem>>
      %gather3A_520 = tpu.memref_squeeze %gather3A_519 : memref<1x64x128xf32, #tpu.memory_space<vmem>> -> memref<64x128xf32, #tpu.memory_space<vmem>>
      %gather3A_521 = tpu.vector_load_idx %gather3A_520[%add3A_193, %broadcast_in_dim3A_502] : memref<64x128xf32, #tpu.memory_space<vmem>>[vector<16xi32>, vector<16xi32>], vector<16xf32>,
      %gather3A_522 = arith.constant 5 : i32
      %gather3A_523 = arith.constant 0 : i32
      %gather3A_524 = arith.constant 0 : i32
      %gather3A_525 = tpu.memref_slice %arg7[%gather3A_522, %gather3A_523, %gather3A_524] : memref<8x64x128xf32, #tpu.memory_space<vmem>> -> memref<1x64x128xf32, #tpu.memory_space<vmem>>
      %gather3A_526 = tpu.memref_squeeze %gather3A_525 : memref<1x64x128xf32, #tpu.memory_space<vmem>> -> memref<64x128xf32, #tpu.memory_space<vmem>>
      %gather3A_527 = tpu.vector_load_idx %gather3A_526[%add3A_197, %broadcast_in_dim3A_502] : memref<64x128xf32, #tpu.memory_space<vmem>>[vector<16xi32>, vector<16xi32>], vector<16xf32>,
      %lt3A_528 = arith.constant 31 : i32
      %lt3A_529 = arith.cmpi slt, %scan3A_203, %lt3A_528 : i32
      %convert_element_type3A_530 = arith.extui %lt3A_529 : i1 to i32
      %cond3A_531 = arith.constant 0 : i32
      %cond3A_532 = arith.cmpi ne, %convert_element_type3A_530, %cond3A_531 : i32
      scf.if %cond3A_532 {
        %slice3A_641 = vector.extract_strided_slice %get3A_213 {offsets = [5], sizes = [1], strides = [1]} : vector<16xi32> to vector<1xi32>
        %squeeze3A_642 = vector.extract %slice3A_641[0] : i32 from vector<1xi32>
        %shift_right_arithmetic3A_643 = arith.constant 7 : i32
        %shift_right_arithmetic3A_644 = arith.shrsi %squeeze3A_642, %shift_right_arithmetic3A_643 : i32
        %shift_left3A_645 = arith.constant 7 : i32
        %shift_left3A_646 = arith.shli %shift_right_arithmetic3A_644, %shift_left3A_645 : i32
        %multiple_of3A_647 = tpu.assume_multiple %shift_left3A_646, 128 : i32
        %dma_start3A_648 = arith.constant 5 : i32
        %dma_start3A_649 = arith.constant 0 : i32
        %dma_start3A_650 = arith.constant 0 : i32
        %dma_start3A_651 = tpu.memref_slice %arg7[%dma_start3A_648, %dma_start3A_649, %dma_start3A_650] : memref<8x64x128xf32, #tpu.memory_space<vmem>> -> memref<1x64x128xf32, #tpu.memory_space<vmem>>
        %dma_start3A_652 = tpu.memref_squeeze %dma_start3A_651 : memref<1x64x128xf32, #tpu.memory_space<vmem>> -> memref<64x128xf32, #tpu.memory_space<vmem>>
        %dma_start3A_653 = arith.constant 0 : i32
        %dma_start3A_654 = tpu.memref_slice %arg3[%dma_start3A_653, %multiple_of3A_647] : memref<64x1000000xf32, #tpu.memory_space<hbm>> -> memref<64x128xf32, #tpu.memory_space<hbm>>
        %dma_start3A_655 = arith.constant 0 : i32
        %dma_start3A_656 = arith.constant 0 : i32
        %dma_start3A_657 = tpu.memref_slice %arg7[%dma_start3A_648, %dma_start3A_655, %dma_start3A_656] : memref<8x64x128xf32, #tpu.memory_space<vmem>> -> memref<1x64x128xf32, #tpu.memory_space<vmem>>
        %dma_start3A_658 = tpu.memref_squeeze %dma_start3A_657 : memref<1x64x128xf32, #tpu.memory_space<vmem>> -> memref<64x128xf32, #tpu.memory_space<vmem>>
        %dma_start3A_659 = arith.constant 0 : i32
        %dma_start3A_660 = tpu.memref_slice %arg3[%dma_start3A_659, %multiple_of3A_647] : memref<64x1000000xf32, #tpu.memory_space<hbm>> -> memref<64x128xf32, #tpu.memory_space<hbm>>
        tpu.enqueue_dma source(%dma_start3A_660 : memref<64x128xf32, #tpu.memory_space<hbm>>) target(%dma_start3A_658 : memref<64x128xf32, #tpu.memory_space<vmem>>) target_semaphore(%arg14 : memref<!tpu.dma_semaphore, #tpu.memory_space<semaphore_mem>>)
      } else {
      }
      tpu.vector_store_idx %arg8[%add3A_185, %broadcast_in_dim3A_503], %gather3A_509 {add = true} : memref<64x256xf32, #tpu.memory_space<vmem>>[vector<16xi32>, vector<16xi32>], vector<16xf32>,
      tpu.vector_store_idx %arg8[%add3A_189, %broadcast_in_dim3A_503], %gather3A_515 {add = true} : memref<64x256xf32, #tpu.memory_space<vmem>>[vector<16xi32>, vector<16xi32>], vector<16xf32>,
      tpu.vector_store_idx %arg8[%add3A_193, %broadcast_in_dim3A_503], %gather3A_521 {add = true} : memref<64x256xf32, #tpu.memory_space<vmem>>[vector<16xi32>, vector<16xi32>], vector<16xf32>,
      tpu.vector_store_idx %arg8[%add3A_197, %broadcast_in_dim3A_503], %gather3A_527 {add = true} : memref<64x256xf32, #tpu.memory_space<vmem>>[vector<16xi32>, vector<16xi32>], vector<16xf32>,
      %dma_wait3A_533 = arith.constant 6 : i32
      %dma_wait3A_534 = arith.constant 0 : i32
      %dma_wait3A_535 = arith.constant 0 : i32
      %dma_wait3A_536 = tpu.memref_slice %arg7[%dma_wait3A_533, %dma_wait3A_534, %dma_wait3A_535] : memref<8x64x128xf32, #tpu.memory_space<vmem>> -> memref<1x64x128xf32, #tpu.memory_space<vmem>>
      %dma_wait3A_537 = tpu.memref_squeeze %dma_wait3A_536 : memref<1x64x128xf32, #tpu.memory_space<vmem>> -> memref<64x128xf32, #tpu.memory_space<vmem>>
      %dma_wait3A_538 = arith.constant 0 : i32
      %dma_wait3A_539 = arith.constant 0 : i32
      %dma_wait3A_540 = tpu.memref_slice %arg3[%dma_wait3A_538, %dma_wait3A_539] : memref<64x1000000xf32, #tpu.memory_space<hbm>> -> memref<64x128xf32, #tpu.memory_space<hbm>>
      %dma_wait3A_541 = arith.constant 0 : i32
      %dma_wait3A_542 = arith.constant 0 : i32
      %dma_wait3A_543 = tpu.memref_slice %arg7[%dma_wait3A_533, %dma_wait3A_541, %dma_wait3A_542] : memref<8x64x128xf32, #tpu.memory_space<vmem>> -> memref<1x64x128xf32, #tpu.memory_space<vmem>>
      %dma_wait3A_544 = tpu.memref_squeeze %dma_wait3A_543 : memref<1x64x128xf32, #tpu.memory_space<vmem>> -> memref<64x128xf32, #tpu.memory_space<vmem>>
      %dma_wait3A_545 = arith.constant 0 : i32
      %dma_wait3A_546 = arith.constant 0 : i32
      %dma_wait3A_547 = tpu.memref_slice %arg3[%dma_wait3A_545, %dma_wait3A_546] : memref<64x1000000xf32, #tpu.memory_space<hbm>> -> memref<64x128xf32, #tpu.memory_space<hbm>>
      tpu.wait_dma2 semaphore(%arg15 : memref<!tpu.dma_semaphore, #tpu.memory_space<semaphore_mem>>) src(%dma_wait3A_547 : memref<64x128xf32, #tpu.memory_space<hbm>>) dst(%dma_wait3A_544 : memref<64x128xf32, #tpu.memory_space<vmem>>)
      %mul3A_548 = arith.constant 8 : i32
      %mul3A_549 = arith.muli %scan3A_203, %mul3A_548 : i32
      %add3A_550 = arith.constant 6 : i32
      %add3A_551 = arith.addi %mul3A_549, %add3A_550 : i32
      %slice3A_552 = vector.extract_strided_slice %get3A_207 {offsets = [6], sizes = [1], strides = [1]} : vector<16xi32> to vector<1xi32>
      %squeeze3A_553 = vector.extract %slice3A_552[0] : i32 from vector<1xi32>
      %and3A_554 = arith.constant 127 : i32
      %and3A_555 = arith.andi %squeeze3A_553, %and3A_554 : i32
      %broadcast_in_dim3A_556 = vector.broadcast %and3A_555 : i32 to vector<16xi32>
      %broadcast_in_dim3A_557 = vector.broadcast %add3A_551 : i32 to vector<16xi32>
      %gather3A_558 = arith.constant 6 : i32
      %gather3A_559 = arith.constant 0 : i32
      %gather3A_560 = arith.constant 0 : i32
      %gather3A_561 = tpu.memref_slice %arg7[%gather3A_558, %gather3A_559, %gather3A_560] : memref<8x64x128xf32, #tpu.memory_space<vmem>> -> memref<1x64x128xf32, #tpu.memory_space<vmem>>
      %gather3A_562 = tpu.memref_squeeze %gather3A_561 : memref<1x64x128xf32, #tpu.memory_space<vmem>> -> memref<64x128xf32, #tpu.memory_space<vmem>>
      %gather3A_563 = tpu.vector_load_idx %gather3A_562[%add3A_185, %broadcast_in_dim3A_556] : memref<64x128xf32, #tpu.memory_space<vmem>>[vector<16xi32>, vector<16xi32>], vector<16xf32>,
      %gather3A_564 = arith.constant 6 : i32
      %gather3A_565 = arith.constant 0 : i32
      %gather3A_566 = arith.constant 0 : i32
      %gather3A_567 = tpu.memref_slice %arg7[%gather3A_564, %gather3A_565, %gather3A_566] : memref<8x64x128xf32, #tpu.memory_space<vmem>> -> memref<1x64x128xf32, #tpu.memory_space<vmem>>
      %gather3A_568 = tpu.memref_squeeze %gather3A_567 : memref<1x64x128xf32, #tpu.memory_space<vmem>> -> memref<64x128xf32, #tpu.memory_space<vmem>>
      %gather3A_569 = tpu.vector_load_idx %gather3A_568[%add3A_189, %broadcast_in_dim3A_556] : memref<64x128xf32, #tpu.memory_space<vmem>>[vector<16xi32>, vector<16xi32>], vector<16xf32>,
      %gather3A_570 = arith.constant 6 : i32
      %gather3A_571 = arith.constant 0 : i32
      %gather3A_572 = arith.constant 0 : i32
      %gather3A_573 = tpu.memref_slice %arg7[%gather3A_570, %gather3A_571, %gather3A_572] : memref<8x64x128xf32, #tpu.memory_space<vmem>> -> memref<1x64x128xf32, #tpu.memory_space<vmem>>
      %gather3A_574 = tpu.memref_squeeze %gather3A_573 : memref<1x64x128xf32, #tpu.memory_space<vmem>> -> memref<64x128xf32, #tpu.memory_space<vmem>>
      %gather3A_575 = tpu.vector_load_idx %gather3A_574[%add3A_193, %broadcast_in_dim3A_556] : memref<64x128xf32, #tpu.memory_space<vmem>>[vector<16xi32>, vector<16xi32>], vector<16xf32>,
      %gather3A_576 = arith.constant 6 : i32
      %gather3A_577 = arith.constant 0 : i32
      %gather3A_578 = arith.constant 0 : i32
      %gather3A_579 = tpu.memref_slice %arg7[%gather3A_576, %gather3A_577, %gather3A_578] : memref<8x64x128xf32, #tpu.memory_space<vmem>> -> memref<1x64x128xf32, #tpu.memory_space<vmem>>
      %gather3A_580 = tpu.memref_squeeze %gather3A_579 : memref<1x64x128xf32, #tpu.memory_space<vmem>> -> memref<64x128xf32, #tpu.memory_space<vmem>>
      %gather3A_581 = tpu.vector_load_idx %gather3A_580[%add3A_197, %broadcast_in_dim3A_556] : memref<64x128xf32, #tpu.memory_space<vmem>>[vector<16xi32>, vector<16xi32>], vector<16xf32>,
      %lt3A_582 = arith.constant 31 : i32
      %lt3A_583 = arith.cmpi slt, %scan3A_203, %lt3A_582 : i32
      %convert_element_type3A_584 = arith.extui %lt3A_583 : i1 to i32
      %cond3A_585 = arith.constant 0 : i32
      %cond3A_586 = arith.cmpi ne, %convert_element_type3A_584, %cond3A_585 : i32
      scf.if %cond3A_586 {
        %slice3A_641 = vector.extract_strided_slice %get3A_213 {offsets = [6], sizes = [1], strides = [1]} : vector<16xi32> to vector<1xi32>
        %squeeze3A_642 = vector.extract %slice3A_641[0] : i32 from vector<1xi32>
        %shift_right_arithmetic3A_643 = arith.constant 7 : i32
        %shift_right_arithmetic3A_644 = arith.shrsi %squeeze3A_642, %shift_right_arithmetic3A_643 : i32
        %shift_left3A_645 = arith.constant 7 : i32
        %shift_left3A_646 = arith.shli %shift_right_arithmetic3A_644, %shift_left3A_645 : i32
        %multiple_of3A_647 = tpu.assume_multiple %shift_left3A_646, 128 : i32
        %dma_start3A_648 = arith.constant 6 : i32
        %dma_start3A_649 = arith.constant 0 : i32
        %dma_start3A_650 = arith.constant 0 : i32
        %dma_start3A_651 = tpu.memref_slice %arg7[%dma_start3A_648, %dma_start3A_649, %dma_start3A_650] : memref<8x64x128xf32, #tpu.memory_space<vmem>> -> memref<1x64x128xf32, #tpu.memory_space<vmem>>
        %dma_start3A_652 = tpu.memref_squeeze %dma_start3A_651 : memref<1x64x128xf32, #tpu.memory_space<vmem>> -> memref<64x128xf32, #tpu.memory_space<vmem>>
        %dma_start3A_653 = arith.constant 0 : i32
        %dma_start3A_654 = tpu.memref_slice %arg3[%dma_start3A_653, %multiple_of3A_647] : memref<64x1000000xf32, #tpu.memory_space<hbm>> -> memref<64x128xf32, #tpu.memory_space<hbm>>
        %dma_start3A_655 = arith.constant 0 : i32
        %dma_start3A_656 = arith.constant 0 : i32
        %dma_start3A_657 = tpu.memref_slice %arg7[%dma_start3A_648, %dma_start3A_655, %dma_start3A_656] : memref<8x64x128xf32, #tpu.memory_space<vmem>> -> memref<1x64x128xf32, #tpu.memory_space<vmem>>
        %dma_start3A_658 = tpu.memref_squeeze %dma_start3A_657 : memref<1x64x128xf32, #tpu.memory_space<vmem>> -> memref<64x128xf32, #tpu.memory_space<vmem>>
        %dma_start3A_659 = arith.constant 0 : i32
        %dma_start3A_660 = tpu.memref_slice %arg3[%dma_start3A_659, %multiple_of3A_647] : memref<64x1000000xf32, #tpu.memory_space<hbm>> -> memref<64x128xf32, #tpu.memory_space<hbm>>
        tpu.enqueue_dma source(%dma_start3A_660 : memref<64x128xf32, #tpu.memory_space<hbm>>) target(%dma_start3A_658 : memref<64x128xf32, #tpu.memory_space<vmem>>) target_semaphore(%arg15 : memref<!tpu.dma_semaphore, #tpu.memory_space<semaphore_mem>>)
      } else {
      }
      tpu.vector_store_idx %arg8[%add3A_185, %broadcast_in_dim3A_557], %gather3A_563 {add = true} : memref<64x256xf32, #tpu.memory_space<vmem>>[vector<16xi32>, vector<16xi32>], vector<16xf32>,
      tpu.vector_store_idx %arg8[%add3A_189, %broadcast_in_dim3A_557], %gather3A_569 {add = true} : memref<64x256xf32, #tpu.memory_space<vmem>>[vector<16xi32>, vector<16xi32>], vector<16xf32>,
      tpu.vector_store_idx %arg8[%add3A_193, %broadcast_in_dim3A_557], %gather3A_575 {add = true} : memref<64x256xf32, #tpu.memory_space<vmem>>[vector<16xi32>, vector<16xi32>], vector<16xf32>,
      tpu.vector_store_idx %arg8[%add3A_197, %broadcast_in_dim3A_557], %gather3A_581 {add = true} : memref<64x256xf32, #tpu.memory_space<vmem>>[vector<16xi32>, vector<16xi32>], vector<16xf32>,
      %dma_wait3A_587 = arith.constant 7 : i32
      %dma_wait3A_588 = arith.constant 0 : i32
      %dma_wait3A_589 = arith.constant 0 : i32
      %dma_wait3A_590 = tpu.memref_slice %arg7[%dma_wait3A_587, %dma_wait3A_588, %dma_wait3A_589] : memref<8x64x128xf32, #tpu.memory_space<vmem>> -> memref<1x64x128xf32, #tpu.memory_space<vmem>>
      %dma_wait3A_591 = tpu.memref_squeeze %dma_wait3A_590 : memref<1x64x128xf32, #tpu.memory_space<vmem>> -> memref<64x128xf32, #tpu.memory_space<vmem>>
      %dma_wait3A_592 = arith.constant 0 : i32
      %dma_wait3A_593 = arith.constant 0 : i32
      %dma_wait3A_594 = tpu.memref_slice %arg3[%dma_wait3A_592, %dma_wait3A_593] : memref<64x1000000xf32, #tpu.memory_space<hbm>> -> memref<64x128xf32, #tpu.memory_space<hbm>>
      %dma_wait3A_595 = arith.constant 0 : i32
      %dma_wait3A_596 = arith.constant 0 : i32
      %dma_wait3A_597 = tpu.memref_slice %arg7[%dma_wait3A_587, %dma_wait3A_595, %dma_wait3A_596] : memref<8x64x128xf32, #tpu.memory_space<vmem>> -> memref<1x64x128xf32, #tpu.memory_space<vmem>>
      %dma_wait3A_598 = tpu.memref_squeeze %dma_wait3A_597 : memref<1x64x128xf32, #tpu.memory_space<vmem>> -> memref<64x128xf32, #tpu.memory_space<vmem>>
      %dma_wait3A_599 = arith.constant 0 : i32
      %dma_wait3A_600 = arith.constant 0 : i32
      %dma_wait3A_601 = tpu.memref_slice %arg3[%dma_wait3A_599, %dma_wait3A_600] : memref<64x1000000xf32, #tpu.memory_space<hbm>> -> memref<64x128xf32, #tpu.memory_space<hbm>>
      tpu.wait_dma2 semaphore(%arg16 : memref<!tpu.dma_semaphore, #tpu.memory_space<semaphore_mem>>) src(%dma_wait3A_601 : memref<64x128xf32, #tpu.memory_space<hbm>>) dst(%dma_wait3A_598 : memref<64x128xf32, #tpu.memory_space<vmem>>)
      %mul3A_602 = arith.constant 8 : i32
      %mul3A_603 = arith.muli %scan3A_203, %mul3A_602 : i32
      %add3A_604 = arith.constant 7 : i32
      %add3A_605 = arith.addi %mul3A_603, %add3A_604 : i32
      %slice3A_606 = vector.extract_strided_slice %get3A_207 {offsets = [7], sizes = [1], strides = [1]} : vector<16xi32> to vector<1xi32>
      %squeeze3A_607 = vector.extract %slice3A_606[0] : i32 from vector<1xi32>
      %and3A_608 = arith.constant 127 : i32
      %and3A_609 = arith.andi %squeeze3A_607, %and3A_608 : i32
      %broadcast_in_dim3A_610 = vector.broadcast %and3A_609 : i32 to vector<16xi32>
      %broadcast_in_dim3A_611 = vector.broadcast %add3A_605 : i32 to vector<16xi32>
      %gather3A_612 = arith.constant 7 : i32
      %gather3A_613 = arith.constant 0 : i32
      %gather3A_614 = arith.constant 0 : i32
      %gather3A_615 = tpu.memref_slice %arg7[%gather3A_612, %gather3A_613, %gather3A_614] : memref<8x64x128xf32, #tpu.memory_space<vmem>> -> memref<1x64x128xf32, #tpu.memory_space<vmem>>
      %gather3A_616 = tpu.memref_squeeze %gather3A_615 : memref<1x64x128xf32, #tpu.memory_space<vmem>> -> memref<64x128xf32, #tpu.memory_space<vmem>>
      %gather3A_617 = tpu.vector_load_idx %gather3A_616[%add3A_185, %broadcast_in_dim3A_610] : memref<64x128xf32, #tpu.memory_space<vmem>>[vector<16xi32>, vector<16xi32>], vector<16xf32>,
      %gather3A_618 = arith.constant 7 : i32
      %gather3A_619 = arith.constant 0 : i32
      %gather3A_620 = arith.constant 0 : i32
      %gather3A_621 = tpu.memref_slice %arg7[%gather3A_618, %gather3A_619, %gather3A_620] : memref<8x64x128xf32, #tpu.memory_space<vmem>> -> memref<1x64x128xf32, #tpu.memory_space<vmem>>
      %gather3A_622 = tpu.memref_squeeze %gather3A_621 : memref<1x64x128xf32, #tpu.memory_space<vmem>> -> memref<64x128xf32, #tpu.memory_space<vmem>>
      %gather3A_623 = tpu.vector_load_idx %gather3A_622[%add3A_189, %broadcast_in_dim3A_610] : memref<64x128xf32, #tpu.memory_space<vmem>>[vector<16xi32>, vector<16xi32>], vector<16xf32>,
      %gather3A_624 = arith.constant 7 : i32
      %gather3A_625 = arith.constant 0 : i32
      %gather3A_626 = arith.constant 0 : i32
      %gather3A_627 = tpu.memref_slice %arg7[%gather3A_624, %gather3A_625, %gather3A_626] : memref<8x64x128xf32, #tpu.memory_space<vmem>> -> memref<1x64x128xf32, #tpu.memory_space<vmem>>
      %gather3A_628 = tpu.memref_squeeze %gather3A_627 : memref<1x64x128xf32, #tpu.memory_space<vmem>> -> memref<64x128xf32, #tpu.memory_space<vmem>>
      %gather3A_629 = tpu.vector_load_idx %gather3A_628[%add3A_193, %broadcast_in_dim3A_610] : memref<64x128xf32, #tpu.memory_space<vmem>>[vector<16xi32>, vector<16xi32>], vector<16xf32>,
      %gather3A_630 = arith.constant 7 : i32
      %gather3A_631 = arith.constant 0 : i32
      %gather3A_632 = arith.constant 0 : i32
      %gather3A_633 = tpu.memref_slice %arg7[%gather3A_630, %gather3A_631, %gather3A_632] : memref<8x64x128xf32, #tpu.memory_space<vmem>> -> memref<1x64x128xf32, #tpu.memory_space<vmem>>
      %gather3A_634 = tpu.memref_squeeze %gather3A_633 : memref<1x64x128xf32, #tpu.memory_space<vmem>> -> memref<64x128xf32, #tpu.memory_space<vmem>>
      %gather3A_635 = tpu.vector_load_idx %gather3A_634[%add3A_197, %broadcast_in_dim3A_610] : memref<64x128xf32, #tpu.memory_space<vmem>>[vector<16xi32>, vector<16xi32>], vector<16xf32>,
      %lt3A_636 = arith.constant 31 : i32
      %lt3A_637 = arith.cmpi slt, %scan3A_203, %lt3A_636 : i32
      %convert_element_type3A_638 = arith.extui %lt3A_637 : i1 to i32
      %cond3A_639 = arith.constant 0 : i32
      %cond3A_640 = arith.cmpi ne, %convert_element_type3A_638, %cond3A_639 : i32
      scf.if %cond3A_640 {
        %slice3A_641 = vector.extract_strided_slice %get3A_213 {offsets = [7], sizes = [1], strides = [1]} : vector<16xi32> to vector<1xi32>
        %squeeze3A_642 = vector.extract %slice3A_641[0] : i32 from vector<1xi32>
        %shift_right_arithmetic3A_643 = arith.constant 7 : i32
        %shift_right_arithmetic3A_644 = arith.shrsi %squeeze3A_642, %shift_right_arithmetic3A_643 : i32
        %shift_left3A_645 = arith.constant 7 : i32
        %shift_left3A_646 = arith.shli %shift_right_arithmetic3A_644, %shift_left3A_645 : i32
        %multiple_of3A_647 = tpu.assume_multiple %shift_left3A_646, 128 : i32
        %dma_start3A_648 = arith.constant 7 : i32
        %dma_start3A_649 = arith.constant 0 : i32
        %dma_start3A_650 = arith.constant 0 : i32
        %dma_start3A_651 = tpu.memref_slice %arg7[%dma_start3A_648, %dma_start3A_649, %dma_start3A_650] : memref<8x64x128xf32, #tpu.memory_space<vmem>> -> memref<1x64x128xf32, #tpu.memory_space<vmem>>
        %dma_start3A_652 = tpu.memref_squeeze %dma_start3A_651 : memref<1x64x128xf32, #tpu.memory_space<vmem>> -> memref<64x128xf32, #tpu.memory_space<vmem>>
        %dma_start3A_653 = arith.constant 0 : i32
        %dma_start3A_654 = tpu.memref_slice %arg3[%dma_start3A_653, %multiple_of3A_647] : memref<64x1000000xf32, #tpu.memory_space<hbm>> -> memref<64x128xf32, #tpu.memory_space<hbm>>
        %dma_start3A_655 = arith.constant 0 : i32
        %dma_start3A_656 = arith.constant 0 : i32
        %dma_start3A_657 = tpu.memref_slice %arg7[%dma_start3A_648, %dma_start3A_655, %dma_start3A_656] : memref<8x64x128xf32, #tpu.memory_space<vmem>> -> memref<1x64x128xf32, #tpu.memory_space<vmem>>
        %dma_start3A_658 = tpu.memref_squeeze %dma_start3A_657 : memref<1x64x128xf32, #tpu.memory_space<vmem>> -> memref<64x128xf32, #tpu.memory_space<vmem>>
        %dma_start3A_659 = arith.constant 0 : i32
        %dma_start3A_660 = tpu.memref_slice %arg3[%dma_start3A_659, %multiple_of3A_647] : memref<64x1000000xf32, #tpu.memory_space<hbm>> -> memref<64x128xf32, #tpu.memory_space<hbm>>
        tpu.enqueue_dma source(%dma_start3A_660 : memref<64x128xf32, #tpu.memory_space<hbm>>) target(%dma_start3A_658 : memref<64x128xf32, #tpu.memory_space<vmem>>) target_semaphore(%arg16 : memref<!tpu.dma_semaphore, #tpu.memory_space<semaphore_mem>>)
      } else {
      }
      tpu.vector_store_idx %arg8[%add3A_185, %broadcast_in_dim3A_611], %gather3A_617 {add = true} : memref<64x256xf32, #tpu.memory_space<vmem>>[vector<16xi32>, vector<16xi32>], vector<16xf32>,
      tpu.vector_store_idx %arg8[%add3A_189, %broadcast_in_dim3A_611], %gather3A_623 {add = true} : memref<64x256xf32, #tpu.memory_space<vmem>>[vector<16xi32>, vector<16xi32>], vector<16xf32>,
      tpu.vector_store_idx %arg8[%add3A_193, %broadcast_in_dim3A_611], %gather3A_629 {add = true} : memref<64x256xf32, #tpu.memory_space<vmem>>[vector<16xi32>, vector<16xi32>], vector<16xf32>,
      tpu.vector_store_idx %arg8[%add3A_197, %broadcast_in_dim3A_611], %gather3A_635 {add = true} : memref<64x256xf32, #tpu.memory_space<vmem>>[vector<16xi32>, vector<16xi32>], vector<16xf32>,
    }
    %scan3A_202 = arith.constant 32 : i32
    "tpu.region"() ({
      %run_scoped3A = tpu.sem_alloc : memref<!tpu.dma_semaphore, #tpu.memory_space<semaphore_mem>>
      %dma_start3A_203 = arith.constant 0 : i32
      %dma_start3A_204 = tpu.memref_slice %arg5[%select_n3A, %dma_start3A_203, %rem3A_20] : memref<4x64x2048xf32, #tpu.memory_space<hbm>> -> memref<1x64x256xf32, #tpu.memory_space<hbm>>
      %dma_start3A_205 = tpu.memref_squeeze %dma_start3A_204 : memref<1x64x256xf32, #tpu.memory_space<hbm>> -> memref<64x256xf32, #tpu.memory_space<hbm>>
      %dma_start3A_206 = arith.constant 0 : i32
      %dma_start3A_207 = tpu.memref_slice %arg5[%select_n3A, %dma_start3A_206, %rem3A_20] : memref<4x64x2048xf32, #tpu.memory_space<hbm>> -> memref<1x64x256xf32, #tpu.memory_space<hbm>>
      %dma_start3A_208 = tpu.memref_squeeze %dma_start3A_207 : memref<1x64x256xf32, #tpu.memory_space<hbm>> -> memref<64x256xf32, #tpu.memory_space<hbm>>
      tpu.enqueue_dma source(%arg8 : memref<64x256xf32, #tpu.memory_space<vmem>>) target(%dma_start3A_208 : memref<64x256xf32, #tpu.memory_space<hbm>>) target_semaphore(%run_scoped3A : memref<!tpu.dma_semaphore, #tpu.memory_space<semaphore_mem>>)
      %dma_wait3A_209 = arith.constant 0 : i32
      %dma_wait3A_210 = tpu.memref_slice %arg5[%select_n3A, %dma_wait3A_209, %rem3A_20] : memref<4x64x2048xf32, #tpu.memory_space<hbm>> -> memref<1x64x256xf32, #tpu.memory_space<hbm>>
      %dma_wait3A_211 = tpu.memref_squeeze %dma_wait3A_210 : memref<1x64x256xf32, #tpu.memory_space<hbm>> -> memref<64x256xf32, #tpu.memory_space<hbm>>
      %dma_wait3A_212 = arith.constant 0 : i32
      %dma_wait3A_213 = tpu.memref_slice %arg5[%select_n3A, %dma_wait3A_212, %rem3A_20] : memref<4x64x2048xf32, #tpu.memory_space<hbm>> -> memref<1x64x256xf32, #tpu.memory_space<hbm>>
      %dma_wait3A_214 = tpu.memref_squeeze %dma_wait3A_213 : memref<1x64x256xf32, #tpu.memory_space<hbm>> -> memref<64x256xf32, #tpu.memory_space<hbm>>
      tpu.wait_dma2 semaphore(%run_scoped3A : memref<!tpu.dma_semaphore, #tpu.memory_space<semaphore_mem>>) src(%arg8 : memref<64x256xf32, #tpu.memory_space<vmem>>) dst(%dma_wait3A_214 : memref<64x256xf32, #tpu.memory_space<hbm>>)
      tpu.yield
    }) : () -> ()
    return
  }
}

</mosaic_0001>

<sc_bundles>
// kernel: kernel.3.cloned.1.call-start
scs
__scs_entry_jumppad:
0x0: {  	(pc) =	sbr.rel $0x88, $3  }
0x1: {  	(tag) =	ssettag $0x0;
	lr =	simm.s32 $0x1  }
0x2: {  	[smem:$0x3F9E] =	sst lr;
	_ =	strace $0xD0000000  }
0x3: {  	_ = 	snop  }
0x4: {  	_ = 	snop  }
0x5: {  	_ = 	snop  }
0x6: {  	_ = 	snop  }
0x7: {  	_ = 	snop  }
__scs_overlays_trampoline_lowered:
0x8: {  	[smem:$0x3FAD] =	sst s0  }
0x9: {  	[smem:$0x3FAE] =	sst s1  }
0xa: {  	[smem:$0x3FAF] =	sst s2  }
0xb: {  	[smem:$0x3FB0] =	sst s3  }
0xc: {  	[smem:$0x3FB1] =	sst s4  }
0xd: {  	[smem:$0x3FB2] =	sst s5  }
0xe: {  	[smem:$0x3FB3] =	sst s6  }
0xf: {  	[smem:$0x3FB4] =	sst s7  }
0x10: {  	[smem:$0x3FB5] =	sst s8  }
0x11: {  	[smem:$0x3FB6] =	sst s9;
	s0 =	simm.s32 @!p0 $0x0  }
0x12: {  	s1 =	sld [smem:$0x3F9C];
	s0 =	simm.s32 @p0 $0x1  }
0x13: {  	[smem:$0x3FB7] =	sst s0;
	s0 =	simm.s32 @!p1 $0x0  }
0x14: {  	s2 =	sld [smem:$0x3F9B];
	s0 =	simm.s32 @p1 $0x1  }
0x15: {  	[smem:$0x3FB8] =	sst s0;
	s0 =	simm.s32 @!p2 $0x0  }
0x16: {  	s3 =	sld [smem:$0x3FDB];
	s0 =	simm.s32 @p2 $0x1  }
0x17: {  	s4 =	simm.s32 $0x1BF5;
	[smem:$0x3FBA] =	sst s0  }
0x18: {  	s0 =	sld [smem:$0x3F9D];
	_ =	swait.ge [sflag:s4], $0x0  }
0x19: {  	s7 =	sld [smem:$0x3F9E]  }
0x1a: {  	s8 =	sadd.s32 $0xFFFFE003, lr  }
0x1b: {  	s9 =	sadd.s32 $0xFFFFFEF7, lr;
	s5 =	simm.s32 $0xFFFFFFFF;
	p2 =	slt.u32 s8, $0xFFFFF086  }
0x1c: {  	p1 =	slt.u32 s9, $0xF7A;
	s5 =	simm.s32 @!p2 $0x0  }
0x1d: {  	s5 =	simm.s32 @p1 $0x1;
	p0 =	seq.s32 s7, s2  }
0x1e: {  	s7 =	smul.u32 @!p0 $0xF7A, s2;
	p2 =	seq.s32 @!p0 s5, $0x0  }
0x1f: {  	s9 =	smul.u32 $0xF7A, s1;
	s8 =	simm.s32 @!p0 $0x1BF5;
	p2 =	por !p2, p0  }
0x20: {  	[sflag:s8] =	ssyncset.s32 @!p0 $0xFFFFF086;
	s6 =	sadd.s32 @!p0 s3, s7;
	s7 =	simm.s32 @!p0 $0x108  }
0x21: {  	s3 =	sadd.s32 s3, s9;
	s6 =	sadd.s32 @!p0 $0x88, s6;
	s7 =	simm.s32 @p2 $0x1082  }
0x22: {  	[simem:s7], [sflag:s8] =	dma.local @!p0 [hbm:s6], $0xF7A  }
0x23: {  	s9 =	sor.u32 $0xD0000000, s2;
	s6 =	simm.s32 $0x108;
	_ =	swait.ge @!p0 [sflag:s8], $0x0  }
0x24: {  	s3 =	sadd.s32 $0x88, s3;
	s6 =	simm.s32 @!p1 $0x1082;
	[sflag:s4] =	ssyncset.s32 $0xFFFFF086  }
0x25: {  	[simem:s6], [sflag:s4] =	dma.local [hbm:s3], $0xF7A  }
0x26: {  	[smem:$0x3F9E] =	sst s1;
	(tag) =	ssettag s2;
	_ =	strace s9  }
0x27: {  	s1 =	sld [smem:$0x3FAE]  }
0x28: {  	s2 =	sld [smem:$0x3FAF]  }
0x29: {  	s4 =	sld [smem:$0x3FB1]  }
0x2a: {  	p0 =	seq.s32 s5, $0x0;
	s5 =	sld [smem:$0x3FB2]  }
0x2b: {  	s6 =	sld [smem:$0x3FB3]  }
0x2c: {  	s7 =	sld [smem:$0x3FB4]  }
0x2d: {  	s3 =	simm.s32 $0x108;
	s8 =	sld [smem:$0x3FB5]  }
0x2e: {  	s3 =	simm.s32 @!p0 $0x1082;
	s9 =	sld [smem:$0x3FB6]  }
0x2f: {  	lr =	sadd.s32 s0, s3;
	s0 =	sld [smem:$0x3FAD]  }
0x30: {  	s3 =	sld [smem:$0x3FB0]  }
0x31: {  	[smem:$0x3FB9] =	sst s10  }
0x32: {  	s10 =	sld [smem:$0x3FB7];
	_ =	sdelay $0x3  }
0x33: {  	p0 =	seq.s32 s10, $0x1;
	s10 =	sld [smem:$0x3FB9];
	_ =	sdelay $0x3  }
0x34: {  	[smem:$0x3FB9] =	sst s10  }
0x35: {  	s10 =	sld [smem:$0x3FB8];
	_ =	sdelay $0x3  }
0x36: {  	p1 =	seq.s32 s10, $0x1;
	s10 =	sld [smem:$0x3FB9];
	_ =	sdelay $0x3  }
0x37: {  	[smem:$0x3FB9] =	sst s10  }
0x38: {  	s10 =	sld [smem:$0x3FBA]  }
0x39: {  	_ = 	snop;
	(pc) =	sbr.ind lr, $3  }
0x3a: {  	_ = 	snop  }
0x3b: {  	_ = 	snop  }
0x3c: {  	p2 =	seq.s32 s10, $0x1;
	s10 =	sld [smem:$0x3FB9]  }
0x3d: {  	_ =	shalt  }
0x3e: {  	_ =	shalt  }
0x3f: {  	_ =	shalt  }
0x40: {  	_ =	shalt  }
0x41: {  	_ =	shalt  }
0x42: {  	_ =	shalt  }
0x43: {  	_ =	shalt  }
0x44: {  	_ =	shalt  }
0x45: {  	_ =	shalt  }
0x46: {  	_ =	shalt  }
0x47: {  	_ =	shalt  }
0x48: {  	_ =	shalt  }
0x49: {  	_ =	shalt  }
0x4a: {  	_ =	shalt  }
0x4b: {  	_ =	shalt  }
0x4c: {  	_ =	shalt  }
0x4d: {  	_ =	shalt  }
0x4e: {  	_ =	shalt  }
0x4f: {  	_ =	shalt  }
0x50: {  	_ =	shalt  }
0x51: {  	_ =	shalt  }
0x52: {  	_ =	shalt  }
0x53: {  	_ =	shalt  }
0x54: {  	_ =	shalt  }
0x55: {  	_ =	shalt  }
0x56: {  	_ =	shalt  }
0x57: {  	_ =	shalt  }
0x58: {  	_ =	shalt  }
0x59: {  	_ =	shalt  }
0x5a: {  	_ =	shalt  }
0x5b: {  	_ =	shalt  }
0x5c: {  	_ =	shalt  }
0x5d: {  	_ =	shalt  }
0x5e: {  	_ =	shalt  }
0x5f: {  	_ =	shalt  }
0x60: {  	_ =	shalt  }
0x61: {  	_ =	shalt  }
0x62: {  	_ =	shalt  }
0x63: {  	_ =	shalt  }
0x64: {  	_ =	shalt  }
0x65: {  	_ =	shalt  }
0x66: {  	_ =	shalt  }
0x67: {  	_ =	shalt  }
0x68: {  	_ =	shalt  }
0x69: {  	_ =	shalt  }
0x6a: {  	_ =	shalt  }
0x6b: {  	_ =	shalt  }
0x6c: {  	_ =	shalt  }
0x6d: {  	_ =	shalt  }
0x6e: {  	_ =	shalt  }
0x6f: {  	_ =	shalt  }
0x70: {  	_ =	shalt  }
0x71: {  	_ =	shalt  }
0x72: {  	_ =	shalt  }
0x73: {  	_ =	shalt  }
0x74: {  	_ =	shalt  }
0x75: {  	_ =	shalt  }
0x76: {  	_ =	shalt  }
0x77: {  	_ =	shalt  }
0x78: {  	_ =	shalt  }
0x79: {  	_ =	shalt  }
0x7a: {  	_ =	shalt  }
0x7b: {  	_ =	shalt  }
0x7c: {  	_ =	shalt  }
0x7d: {  	_ =	shalt  }
0x7e: {  	_ =	shalt  }
0x7f: {  	_ =	shalt  }
0x80: {  	_ =	shalt  }
0x81: {  	_ =	shalt  }
0x82: {  	_ =	shalt  }
0x83: {  	_ =	shalt  }
0x84: {  	_ =	shalt  }
0x85: {  	_ =	shalt  }
0x86: {  	_ =	shalt  }
0x87: {  	_ =	shalt  }
.Lfunc_end0:
.L_simem_size_0:
called_computation_lowered:
.L_overlay_start_0:
0x88: {  	s2 =	sld [smem:$0x3FD9]  }
0x89: {  	s3 =	sld [smem:$0x3FFE];
	_ =	sdelay $0x1  }
0x8a: {  	s1 =	srdreg.scid  }
0x8b: {  	s0 =	sand.u32 $0x1, s1  }
0x8c: {  	s17 =	sshll.u32 s0, $0xA;
	s2 =	sadd.s32 s3, s2  }
0x8d: {  	s2 =	sadd.s32 s2, s17  }
0x8e: {  	[smem:$0x3FC5] =	sst s2  }
0x8f: {  	_ = 	snop  }
0x90: {  	s2 =	sld [smem:$0x3FC8]  }
0x91: {  	s18 =	sld [smem:$0x3FC7]  }
0x92: {  	s4 =	sld [smem:$0x3FD0];
	(tm) =	ssettm $0x1  }
0x93: {  	s5 =	sld [smem:$0x3FFB];
	_ =	sdelay $0x3  }
0x94: {  	_ =	strace s5  }
0x95: {  	s5 =	sld [smem:$0x3FFC];
	_ =	sdelay $0x3  }
0x96: {  	_ =	strace s5  }
0x97: {  	s5 =	sld [smem:$0x3FFD];
	_ =	sdelay $0x3  }
0x98: {  	_ =	strace s5  }
0x99: {  	_ =	strace $0x8FFFFFFF  }
0x9a: {  	s19 =	sld [smem:$0x3FDB];
	_ =	sdelay $0x1  }
0x9b: {  	s6 =	simm.s32 $_scs_section_size  }
0x9c: {  	s7 =	simm.s32 $_size__tile_overlayer_lowered;
	s8 =	simm.s32 $_tile_overlayer_lowered  }
0x9d: {  	s22 =	simm.s32 $0x1BFF;
	s21 =	sshll.u32 s8, $0x1;
	s5 =	sadd.s32 s6, s19  }
0x9e: {  	s9 =	simm.s32 $0x0;
	s20 =	sshll.u32 s7, $0x1;
	s7 =	sadd.s32 s21, s5  }
0x9f: {  	[timem:s9], [sflag:s22] =	dma.local [hbm:s7], s20  }
0xa0: {  	_ =	swait.ge [sflag:s22], s20  }
0xa1: {  	s6 =	ssub.s32 $0x0, s20;
	[sflag:s22] =	ssyncset.done $0x0  }
0xa2: {  	[sflag:s22] =	ssyncadd.s32 s6;
	_ =	sdelay $0x1  }
0xa3: {  	s23 =	simm.s32 $0x1B8B  }
0xa4: {  	_ =	swait.ge [sflag:s23], $0x1  }
0xa5: {  	[sflag:s23] =	ssyncset.done $0x0  }
0xa6: {  	s25 =	simm.s32 $0x1B8E;
	s24 =	sld [smem:$0x3FFE];
	[sflag:s23] =	ssyncadd.s32 $0xFFFFFFFF  }
0xa7: {  	s26 =	simm.s32 $execute0_lowered;
	[smem:$0x3FD2] =	sst s25  }
0xa8: {  	s7 =	sshll.u32 s26, $0x1;
	_ =	strace $0x80000046;
	[dreg:$0x1] =	wrdreg $0xFFFFFFFF  }
0xa9: {  	s28 =	simm.s32 $_size_execute0_lowered;
	s5 =	sadd.s32 s5, s7;
	[dreg:$0x0] =	wrdreg $0x0  }
0xaa: {  	s7 =	sshll.u32 s28, $0x1;
	[dreg:$0x2] =	wrdreg s5  }
0xab: {  	[dreg:$0x3] =	wrdreg s7  }
0xac: {  	[dreg:$0x4] =	wrdreg $0xC0  }
0xad: {  	_ =	task [dreg:s9], $0x5FFFF  }
0xae: {  	[dreg:$0x1] =	wrdreg $0xFFFFFFFF  }
0xaf: {  	[dreg:$0x0] =	wrdreg $0x60  }
0xb0: {  	[dreg:$0x2] =	wrdreg s24  }
0xb1: {  	[dreg:$0x3] =	wrdreg s2  }
0xb2: {  	[dreg:$0x4] =	wrdreg s18  }
0xb3: {  	[dreg:$0x5] =	wrdreg s4  }
0xb4: {  	[dreg:$0x6] =	wrdreg $0x9  }
0xb5: {  	_ =	task.clear_ibuf [dreg:s9], $0x7FFFF;
	_ =	strace $0x90000046  }
0xb6: {  	s29 =	simm.s32 $0x9;
	_ =	strace $0x80000048  }
0xb7: {  	_ =	swait.ge [sflag:s29], $0x1  }
0xb8: {  	[sflag:s29] =	ssyncadd.s32 $0xFFFFFFFF  }
0xb9: {  	_ =	strace $0x90000048  }
0xba: {  	_ =	sfence  }
0xbb: {  	s30 =	sld [smem:$0x0];
	_ =	sdelay $0x2  }
0xbc: {  	s31 =	sshll.u32 s1, $0xD;
	s1 =	sshrl.u32 s1, $0x2  }
0xbd: {  	s3 =	sand.u32 $0x4000, s31;
	s1 =	sadd.s32 s1, s30  }
0xbe: {  	s0 =	sor.u32 s3, s0;
	s1 =	sshll.u32 s1, $0x11  }
0xbf: {  	s0 =	sor.u32 s1, s0  }
0xc0: {  	s0 =	sadd.s32 $0x8F2B, s0  }
0xc1: {  	[sflag:s0] =	ssyncadd.remote.s32 $0x1  }
0xc2: {  	_ =	sfence.sel $0xFFFF  }
0xc3: {  	[dreg:$0x0] =	wrdreg $0xFFFFFFFF;
	(pc) =	sbr.abs _section_cstart, $3  }
0xc4: {  	[dreg:$0x1] =	wrdreg $0xFFFFFFFF  }
0xc5: {  	_ =	task.clear_ibuf [dreg:s9], $0x2FFFF;
	_ =	strace $0x9FFFFFFF  }
0xc6: {  	(tm) =	ssettm $0x7FFFFFFF  }
0xc7: {  	_ =	shalt  }
tec
execute0_lowered:
.L_overlay_start_1:
0x0: {  	(tag) =	ssettag $0x1  }
0x1: {  	v0 =	vimm.s32 $0xB80;
	vm14 =	vcmask $0x300;
	vm13 =	vcmask $0x704  }
0x2: {  	vm12 =	vcmask $0xB08;
	vm11 =	vcmask $0xF0C;
	vm10 =	vcmask $0x1310  }
0x3: {  	vm9 =	vcmask $0x1714;
	vm8 =	vcmask $0x1B18;
	vm7 =	vcmask $0x1F1C  }
0x4: {  	vm6 =	vcmask $0x2320;
	vm5 =	vcmask $0x2724;
	vm4 =	vcmask $0x2B28  }
0x5: {  	v1 =	vlaneseq.u32;
	vm2 =	vcmask $0x2F2C;
	vm3 =	vcmask $0x3330  }
0x6: {  	vm1 =	vcmask $0x3734;
	vm0 =	vcmask $0x3B38;
	v5 =	vimm.s32 $0x1B80  }
0x7: {  	v6 =	vimm.s32 $0x2B80;
	v7 =	vimm.s32 $0x3B80;
	v0 =	vsel vm14, $0x0, v0  }
0x8: {  	v5 =	vsel vm14, $0x1000, v5;
	v6 =	vsel vm14, $0x2000, v6;
	v7 =	vsel vm14, $0x3000, v7  }
0x9: {  	v0 =	vsel vm13, $0x80, v0;
	v5 =	vsel vm13, $0x1080, v5;
	v6 =	vsel vm13, $0x2080, v6  }
0xa: {  	s1 =	rddreg [dreg:$0x0];
	v7 =	vsel vm13, $0x3080, v7;
	v0 =	vsel vm12, $0x100, v0;
	v5 =	vsel vm12, $0x1100, v5  }
0xb: {  	s0 =	rddreg [dreg:$0x1];
	v6 =	vsel vm12, $0x2100, v6;
	v7 =	vsel vm12, $0x3100, v7;
	v0 =	vsel vm11, $0x180, v0  }
0xc: {  	s2 =	rddreg [dreg:$0x2];
	v5 =	vsel vm11, $0x1180, v5;
	v6 =	vsel vm11, $0x2180, v6;
	v7 =	vsel vm11, $0x3180, v7  }
0xd: {  	s3 =	rddreg [dreg:$0x3];
	s4 =	srdreg.scid;
	v0 =	vsel vm10, $0x200, v0;
	v5 =	vsel vm10, $0x1200, v5;
	v6 =	vsel vm10, $0x2200, v6  }
0xe: {  	s5 =	simm.s32 $0x0;
	s8 =	stileid.u32;
	s10 =	simm.s32 $0x10180;
	v7 =	vsel vm10, $0x3200, v7;
	v0 =	vsel vm9, $0x280, v0;
	v5 =	vsel vm9, $0x1280, v5  }
0xf: {  	s14 =	simm.s32 $0x180;
	s15 =	simm.s32 $0x2180;
	s16 =	simm.s32 $0x4180;
	v6 =	vsel vm9, $0x2280, v6;
	v7 =	vsel vm9, $0x3280, v7;
	v0 =	vsel vm8, $0x300, v0  }
0x10: {  	s17 =	simm.s32 $0x6180;
	s18 =	simm.s32 $0x8180;
	s13 =	simm.s32 $0xA180;
	v5 =	vsel vm8, $0x1300, v5;
	v6 =	vsel vm8, $0x2300, v6;
	v7 =	vsel vm8, $0x3300, v7  }
0x11: {  	s20 =	simm.s32 $0xC180;
	s21 =	simm.s32 $0xE180;
	s31 =	simm.s32 $0x2;
	v0 =	vsel vm7, $0x380, v0;
	v5 =	vsel vm7, $0x1380, v5;
	v6 =	vsel vm7, $0x2380, v6  }
0x12: {  	s30 =	simm.s32 $0x3;
	s28 =	simm.s32 $0x4;
	s29 =	simm.s32 $0x6;
	v7 =	vsel vm7, $0x3380, v7;
	v0 =	vsel vm6, $0x800, v0;
	v5 =	vsel vm6, $0x1800, v5  }
0x13: {  	s19 =	simm.s32 $0x8180;
	s4 =	sand.u32 $0x1, s4;
	[smem:$0x7FF] =	sst s5;
	v6 =	vsel vm6, $0x2800, v6;
	v7 =	vsel vm6, $0x3800, v7;
	v0 =	vsel vm5, $0x880, v0  }
0x14: {  	s23 =	sshll.u32 s8, $0x9;
	s8 =	sshll.u32 s8, $0xC;
	s6 =	sshll.u32 s4, $0x8;
	v5 =	vsel vm5, $0x1880, v5;
	v6 =	vsel vm5, $0x2880, v6;
	v7 =	vsel vm5, $0x3880, v7  }
0x15: {  	_ =	strace $0x80000047;
	s4 =	ssub.s32 $0x2, s4;
	s24 =	sand.u32 $0xC000, s8;
	v2 =	vsel vm4, $0x900, v0;
	v0 =	vmul.u32 $0x80, v1;
	v5 =	vsel vm4, $0x1900, v5  }
0x16: {  	s5 =	sor.u32 s6, s23;
	s7 =	sshrl.u32 s4, $0x1;
	s25 =	sadd.s32 s3, s24;
	v6 =	vsel vm4, $0x2900, v6;
	v7 =	vsel vm4, $0x3900, v7;
	v1 =	vsel vm2, $0x980, v2  }
0x17: {  	s3 =	simm.s32 $0xA;
	s6 =	sshrl.u32 s5, $0x3;
	s5 =	sand.u32 $0x700, s5;
	v5 =	vsel vm2, $0x1980, v5;
	v6 =	vsel vm2, $0x2980, v6;
	v7 =	vsel vm2, $0x3980, v7  }
0x18: {  	s4 =	ssub.s32 s4, s7;
	s1 =	sadd.s32 s6, s1;
	s2 =	sadd.s32 s2, s5;
	v2 =	vsel vm3, $0xA00, v1;
	v1 =	vor.u32 $0x800, v0;
	v3 =	vor.u32 $0x1800, v0  }
0x19: {  	s6 =	simm.s32 $0x4000;
	s26 =	smax.u32 s4, $0x1;
	[dreg:$0x6] =	wrdreg s2;
	v5 =	vsel vm3, $0x1A00, v5;
	v6 =	vsel vm3, $0x2A00, v6;
	v7 =	vsel vm3, $0x3A00, v7  }
0x1a: {  	s1 =	sadd.s32 $0x400, s1;
	[dreg:$0x8] =	wrdreg s26;
	s26 =	simm.s32 $0x5;
	v4 =	vsel vm1, $0xA80, v2;
	v2 =	vor.u32 $0x1000, v0;
	v5 =	vsel vm1, $0x1A80, v5  }
0x1b: {  	s2 =	simm.s32 $0x0;
	[dreg:$0x5] =	wrdreg s1;
	s1 =	sadd.s32 s5, s25;
	v6 =	vsel vm1, $0x2A80, v6;
	v7 =	vsel vm1, $0x3A80, v7;
	v4 =	vsel vm0, $0xB00, v4  }
0x1c: {  	s5 =	simm.s32 $0x800;
	s25 =	simm.s32 $0x1;
	[dreg:$0x7] =	wrdreg s1;
	v5 =	vsel vm0, $0x1B00, v5;
	v6 =	vsel vm0, $0x2B00, v6;
	v7 =	vsel vm0, $0x3B00, v7  }
.LBB2_1:
0x1d: {  	[dreg:$0x9] =	wrdreg s2  }
0x1e: {  	s1 =	simm.s32 $0x0;
	s9 =	rddreg [dreg:$0x5]  }
0x1f: {  	[tilespmem:s1], [sflag:$0xA] =	stream.linear.gather [hbm4b:s9+s1], $0x100, $0x38;
	[tilespmem:$0x14180] =	vst v63  }
0x20: {  	_ =	swait.ge [sflag:s3], $0x100  }
0x21: {  	[sflag:s3] =	ssyncset.done $0x0  }
0x22: {  	s11 =	rddreg [dreg:$0x6];
	[sflag:s3] =	ssyncadd.s32 $0xFFFFFF00  }
0x23: {  	[tilespmem:s10], [sflag:$0x9] =	stream.strided.gather [hbm4b:s11+s5], $0x4000, s6, s5, $0x38;
	[tilespmem:$0x14180] =	vst v63  }
0x24: {  	v8 =	vld [tilespmem:$0x0];
	_ =	sdelay $0x4  }
0x25: {  	(v2sf) =	vpush v8, $0x0;
	_ =	sdelay $0x1  }
0x26: {  	(v2sf) =	vpush v8, $0x1;
	_ =	sdelay $0x2  }
0x27: {  	(v2sf) =	vpush v8, $0x2;
	_ =	sdelay $0x2  }
0x28: {  	(v2sf) =	vpush v8, $0x3;
	_ =	sdelay $0x2  }
0x29: {  	(v2sf) =	vpush v8, $0x4;
	_ =	sdelay $0x2  }
0x2a: {  	(v2sf) =	vpush v8, $0x5  }
0x2b: {  	s12 =	spop (v2sf)  }
0x2c: {  	s22 =	simm.s32 $0x400;
	s1 =	sand.u32 $0xFFFFF80, s12  }
0x2d: {  	s23 =	simm.s32 $0x7A1400;
	(v2sf) =	vpush v8, $0x6;
	s24 =	spop (v2sf);
	s1 =	sadd.s32 s0, s1  }
0x2e: {  	[tilespmem:s14], [sflag:$0x1] =	stream.strided.gather [hbm4b:s1+s22], $0x2000, s23, s22, $0x38;
	[tilespmem:$0x14180] =	vst v63  }
0x2f: {  	s1 =	sand.u32 $0xFFFFF80, s24  }
0x30: {  	(v2sf) =	vpush v8, $0x7;
	s4 =	spop (v2sf);
	s1 =	sadd.s32 s0, s1  }
0x31: {  	[tilespmem:s15], [sflag:$0x2] =	stream.strided.gather [hbm4b:s1+s22], $0x2000, s23, s22, $0x38;
	[tilespmem:$0x14180] =	vst v63  }
0x32: {  	s1 =	sand.u32 $0xFFFFF80, s4  }
0x33: {  	s5 =	spop (v2sf);
	s1 =	sadd.s32 s0, s1  }
0x34: {  	[tilespmem:s16], [sflag:$0x3] =	stream.strided.gather [hbm4b:s1+s22], $0x2000, s23, s22, $0x38;
	[tilespmem:$0x14180] =	vst v63  }
0x35: {  	s1 =	sand.u32 $0xFFFFF80, s5  }
0x36: {  	s6 =	spop (v2sf);
	s1 =	sadd.s32 s0, s1  }
0x37: {  	[tilespmem:s17], [sflag:$0x4] =	stream.strided.gather [hbm4b:s1+s22], $0x2000, s23, s22, $0x38;
	[tilespmem:$0x14180] =	vst v63  }
0x38: {  	s1 =	sand.u32 $0xFFFFF80, s6  }
0x39: {  	s7 =	spop (v2sf);
	s1 =	sadd.s32 s0, s1  }
0x3a: {  	[tilespmem:s18], [sflag:$0x5] =	stream.strided.gather [hbm4b:s1+s22], $0x2000, s23, s22, $0x38;
	[tilespmem:$0x14180] =	vst v63  }
0x3b: {  	s1 =	sand.u32 $0xFFFFF80, s7  }
0x3c: {  	s8 =	spop (v2sf);
	s1 =	sadd.s32 s0, s1  }
0x3d: {  	[tilespmem:s13], [sflag:$0x6] =	stream.strided.gather [hbm4b:s1+s22], $0x2000, s23, s22, $0x38;
	[tilespmem:$0x14180] =	vst v63  }
0x3e: {  	s1 =	sand.u32 $0xFFFFF80, s8  }
0x3f: {  	s9 =	spop (v2sf);
	s1 =	sadd.s32 s0, s1  }
0x40: {  	[tilespmem:s20], [sflag:$0x7] =	stream.strided.gather [hbm4b:s1+s22], $0x2000, s23, s22, $0x38;
	[tilespmem:$0x14180] =	vst v63  }
0x41: {  	s1 =	sand.u32 $0xFFFFF80, s9  }
0x42: {  	s11 =	simm.s32 $0x9;
	s1 =	sadd.s32 s0, s1  }
0x43: {  	[tilespmem:s21], [sflag:$0x8] =	stream.strided.gather [hbm4b:s1+s22], $0x2000, s23, s22, $0x38;
	[tilespmem:$0x14180] =	vst v63  }
0x44: {  	_ =	swait.ge [sflag:s11], $0x4000  }
0x45: {  	[sflag:s11] =	ssyncset.done $0x0  }
0x46: {  	s12 =	simm.s32 $0x8;
	[sflag:s11] =	ssyncadd.s32 $0xFFFFC000  }
0x47: {  	v8 =	vld [tilespmem:s12+$0xFFFFFFF8]  }
0x48: {  	v9 =	vld [tilespmem:s12+$0x0];
	_ =	sdelay $0x3  }
0x49: {  	p0 =	por $0x0, $0x0;
	(v2sf) =	vpush v8, $0x0  }
0x4a: {  	(v2sf) =	vpush @!p0 v9, $0x0  }
0x4b: {  	(v2sf) =	vpush v8, $0x1  }
0x4c: {  	(v2sf) =	vpush @!p0 v9, $0x1;
	_ =	sdelay $0x3  }
0x4d: {  	(v2sf) =	vpush v8, $0x2  }
0x4e: {  	(v2sf) =	vpush @!p0 v9, $0x2  }
0x4f: {  	(v2sf) =	vpush v8, $0x3  }
0x50: {  	(v2sf) =	vpush @!p0 v9, $0x3  }
0x51: {  	(v2sf) =	vpush v8, $0x4  }
0x52: {  	(v2sf) =	vpush @!p0 v9, $0x4  }
0x53: {  	(v2sf) =	vpush v8, $0x5  }
0x54: {  	(v2sf) =	vpush @!p0 v9, $0x5  }
0x55: {  	(v2sf) =	vpush v8, $0x6;
	s13 =	spop (v2sf)  }
0x56: {  	(v2sf) =	vpush @!p0 v9, $0x6;
	s2 =	spop @!p0 (v2sf);
	s1 =	sand.u32 $0x7F, s13  }
0x57: {  	(v2sf) =	vpush v8, $0x7;
	s4 =	spop (v2sf);
	v8 =	vor.u32 s1, v0  }
0x58: {  	(v2sf) =	vpush @!p0 v9, $0x7;
	v9 =	vor.u32 s1, v1;
	s23 =	spop @!p0 (v2sf)  }
0x59: {  	v11 =	vor.u32 s1, v2;
	_ =	swait.ge [sflag:s25], $0x2000  }
0x5a: {  	s22 =	simm.s32 $0x0;
	v13 =	vor.u32 s1, v3;
	[sflag:s25] =	ssyncset.done $0x0  }
0x5b: {  	v10 =	vmov s22;
	[sflag:s25] =	ssyncadd.s32 $0xFFFFE000  }
0x5c: {  	s3 =	simm.s32 @!p0 $0x400;
	v12 =	vshll.u32 v10, $0x3;
	s7 =	spop (v2sf);
	v8 =	vld.idx.msk [tilespmem:v8+s14+$0x0], $0xffff  }
0x5d: {  	s5 =	simm.s32 @!p0 $0x180;
	v10 =	vand.u32 $0x78, v10;
	v12 =	vand.u32 $0x400, v12;
	s1 =	sand.u32 @!p0 $0xFFFFF80, s2;
	s22 =	spop @!p0 (v2sf);
	v9 =	vld.idx.msk [tilespmem:v9+s14+$0x0], $0xffff  }
0x5e: {  	v10 =	vor.u32 v10, v12;
	s2 =	simm.s32 @!p0 $0x7A1400;
	s1 =	sadd.s32 @!p0 s0, s1;
	s13 =	spop (v2sf);
	v11 =	vld.idx.msk [tilespmem:v11+s14+$0x0], $0xffff  }
0x5f: {  	v12 =	vor.u32 v4, v10;
	v13 =	vld.idx.msk [tilespmem:v13+s14+$0x0], $0xffff;
	[tilespmem:s5], [sflag:$0x1] =	stream.strided.gather @!p0 [hbm4b:s1+s3], $0x2000, s2, s3, $0x38  }
0x60: {  	v14 =	vor.u32 v5, v10;
	s12 =	spop @!p0 (v2sf)  }
0x61: {  	v15 =	vor.u32 v6, v10;
	s11 =	spop (v2sf)  }
0x62: {  	v10 =	vor.u32 v7, v10;
	s9 =	spop @!p0 (v2sf)  }
0x63: {  	s8 =	spop (v2sf)  }
0x64: {  	[tilespmem:v12+s10+$0x0] =	vst.idx.add.f32.msk $0xffff, v8;
	s6 =	spop @!p0 (v2sf)  }
0x65: {  	s24 =	sand.u32 $0x7F, s4;
	[tilespmem:v14+s10+$0x0] =	vst.idx.add.f32.msk $0xffff, v9;
	s5 =	spop (v2sf)  }
0x66: {  	s4 =	simm.s32 $0x1;
	v8 =	vor.u32 s24, v0;
	[tilespmem:v15+s10+$0x0] =	vst.idx.add.f32.msk $0xffff, v11;
	s1 =	spop @!p0 (v2sf)  }
0x67: {  	v9 =	vor.u32 s24, v1;
	[tilespmem:v10+s10+$0x0] =	vst.idx.add.f32.msk $0xffff, v13;
	v10 =	vmov s4;
	s4 =	spop (v2sf)  }
0x68: {  	v11 =	vor.u32 s24, v2;
	v12 =	vshll.u32 v10, $0x3;
	_ =	swait.ge [sflag:s31], $0x2000  }
0x69: {  	v13 =	vor.u32 s24, v3;
	v10 =	vand.u32 $0x79, v10;
	v12 =	vand.u32 $0x400, v12;
	[sflag:s31] =	ssyncset.done $0x0  }
0x6a: {  	v10 =	vor.u32 v10, v12;
	[sflag:s31] =	ssyncadd.s32 $0xFFFFE000  }
0x6b: {  	v12 =	vor.u32 v4, v10;
	v8 =	vld.idx.msk [tilespmem:v8+s15+$0x0], $0xffff  }
0x6c: {  	v14 =	vor.u32 v5, v10;
	v9 =	vld.idx.msk [tilespmem:v9+s15+$0x0], $0xffff  }
0x6d: {  	s23 =	sand.u32 @!p0 $0xFFFFF80, s23;
	v15 =	vor.u32 v6, v10;
	v11 =	vld.idx.msk [tilespmem:v11+s15+$0x0], $0xffff  }
0x6e: {  	s23 =	sadd.s32 @!p0 s0, s23;
	s24 =	simm.s32 @!p0 $0x2180;
	v10 =	vor.u32 v7, v10;
	v13 =	vld.idx.msk [tilespmem:v13+s15+$0x0], $0xffff  }
0x6f: {  	[tilespmem:s24], [sflag:$0x2] =	stream.strided.gather @!p0 [hbm4b:s23+s3], $0x2000, s2, s3, $0x38;
	[tilespmem:$0x14180] =	vst v63  }
0x70: {  	[tilespmem:v12+s10+$0x0] =	vst.idx.add.f32.msk $0xffff, v8  }
0x71: {  	s24 =	sand.u32 $0x7F, s7;
	[tilespmem:v14+s10+$0x0] =	vst.idx.add.f32.msk $0xffff, v9  }
0x72: {  	s15 =	simm.s32 $0x2;
	v8 =	vor.u32 s24, v0;
	[tilespmem:v15+s10+$0x0] =	vst.idx.add.f32.msk $0xffff, v11  }
0x73: {  	s7 =	spop @!p0 (v2sf);
	v9 =	vmov s15;
	[tilespmem:v10+s10+$0x0] =	vst.idx.add.f32.msk $0xffff, v13;
	v10 =	vor.u32 s24, v1  }
0x74: {  	v11 =	vor.u32 s24, v2;
	v12 =	vshll.u32 v9, $0x3;
	_ =	swait.ge [sflag:s30], $0x2000  }
0x75: {  	v9 =	vand.u32 $0x7A, v9;
	v13 =	vor.u32 s24, v3;
	v12 =	vand.u32 $0x400, v12;
	[sflag:s30] =	ssyncset.done $0x0  }
0x76: {  	v9 =	vor.u32 v9, v12;
	[sflag:s30] =	ssyncadd.s32 $0xFFFFE000  }
0x77: {  	v12 =	vor.u32 v4, v9;
	v8 =	vld.idx.msk [tilespmem:v8+s16+$0x0], $0xffff  }
0x78: {  	v14 =	vor.u32 v5, v9;
	v10 =	vld.idx.msk [tilespmem:v10+s16+$0x0], $0xffff  }
0x79: {  	s22 =	sand.u32 @!p0 $0xFFFFF80, s22;
	v15 =	vor.u32 v6, v9;
	v11 =	vld.idx.msk [tilespmem:v11+s16+$0x0], $0xffff  }
0x7a: {  	s22 =	sadd.s32 @!p0 s0, s22;
	s23 =	simm.s32 @!p0 $0x4180;
	v9 =	vor.u32 v7, v9;
	v13 =	vld.idx.msk [tilespmem:v13+s16+$0x0], $0xffff  }
0x7b: {  	[tilespmem:s23], [sflag:$0x3] =	stream.strided.gather @!p0 [hbm4b:s22+s3], $0x2000, s2, s3, $0x38;
	[tilespmem:$0x14180] =	vst v63  }
0x7c: {  	[tilespmem:v12+s10+$0x0] =	vst.idx.add.f32.msk $0xffff, v8  }
0x7d: {  	s13 =	sand.u32 $0x7F, s13;
	[tilespmem:v14+s10+$0x0] =	vst.idx.add.f32.msk $0xffff, v10  }
0x7e: {  	s16 =	simm.s32 $0x3;
	v8 =	vor.u32 s13, v0;
	[tilespmem:v15+s10+$0x0] =	vst.idx.add.f32.msk $0xffff, v11  }
0x7f: {  	v10 =	vmov s16;
	[tilespmem:v9+s10+$0x0] =	vst.idx.add.f32.msk $0xffff, v13;
	v9 =	vor.u32 s13, v1  }
0x80: {  	v11 =	vor.u32 s13, v2;
	v12 =	vshll.u32 v10, $0x3;
	_ =	swait.ge [sflag:s28], $0x2000  }
0x81: {  	v10 =	vand.u32 $0x7B, v10;
	v13 =	vor.u32 s13, v3;
	v12 =	vand.u32 $0x400, v12;
	[sflag:s28] =	ssyncset.done $0x0  }
0x82: {  	v10 =	vor.u32 v10, v12;
	[sflag:s28] =	ssyncadd.s32 $0xFFFFE000  }
0x83: {  	v12 =	vor.u32 v4, v10;
	v8 =	vld.idx.msk [tilespmem:v8+s17+$0x0], $0xffff  }
0x84: {  	v14 =	vor.u32 v5, v10;
	v9 =	vld.idx.msk [tilespmem:v9+s17+$0x0], $0xffff  }
0x85: {  	s12 =	sand.u32 @!p0 $0xFFFFF80, s12;
	v15 =	vor.u32 v6, v10;
	v11 =	vld.idx.msk [tilespmem:v11+s17+$0x0], $0xffff  }
0x86: {  	s12 =	sadd.s32 @!p0 s0, s12;
	s13 =	simm.s32 @!p0 $0x6180;
	v10 =	vor.u32 v7, v10;
	v13 =	vld.idx.msk [tilespmem:v13+s17+$0x0], $0xffff  }
0x87: {  	[tilespmem:s13], [sflag:$0x4] =	stream.strided.gather @!p0 [hbm4b:s12+s3], $0x2000, s2, s3, $0x38;
	[tilespmem:$0x14180] =	vst v63  }
0x88: {  	[tilespmem:v12+s10+$0x0] =	vst.idx.add.f32.msk $0xffff, v8  }
0x89: {  	s11 =	sand.u32 $0x7F, s11;
	[tilespmem:v14+s10+$0x0] =	vst.idx.add.f32.msk $0xffff, v9  }
0x8a: {  	s24 =	simm.s32 $0x4;
	v8 =	vor.u32 s11, v0;
	[tilespmem:v15+s10+$0x0] =	vst.idx.add.f32.msk $0xffff, v11  }
0x8b: {  	v9 =	vmov s24;
	[tilespmem:v10+s10+$0x0] =	vst.idx.add.f32.msk $0xffff, v13;
	v10 =	vor.u32 s11, v1  }
0x8c: {  	v11 =	vor.u32 s11, v2;
	v12 =	vshll.u32 v9, $0x3;
	_ =	swait.ge [sflag:s26], $0x2000  }
0x8d: {  	v9 =	vand.u32 $0x7C, v9;
	v13 =	vor.u32 s11, v3;
	v12 =	vand.u32 $0x400, v12;
	[sflag:s26] =	ssyncset.done $0x0  }
0x8e: {  	v9 =	vor.u32 v9, v12;
	[sflag:s26] =	ssyncadd.s32 $0xFFFFE000  }
0x8f: {  	v12 =	vor.u32 v4, v9;
	v8 =	vld.idx.msk [tilespmem:v8+s18+$0x0], $0xffff  }
0x90: {  	v14 =	vor.u32 v5, v9;
	v10 =	vld.idx.msk [tilespmem:v10+s18+$0x0], $0xffff  }
0x91: {  	s9 =	sand.u32 @!p0 $0xFFFFF80, s9;
	v15 =	vor.u32 v6, v9;
	v11 =	vld.idx.msk [tilespmem:v11+s18+$0x0], $0xffff  }
0x92: {  	s9 =	sadd.s32 @!p0 s0, s9;
	s11 =	simm.s32 @!p0 $0x8180;
	v9 =	vor.u32 v7, v9;
	v13 =	vld.idx.msk [tilespmem:v13+s18+$0x0], $0xffff  }
0x93: {  	[tilespmem:s11], [sflag:$0x5] =	stream.strided.gather @!p0 [hbm4b:s9+s3], $0x2000, s2, s3, $0x38;
	[tilespmem:$0x14180] =	vst v63  }
0x94: {  	[tilespmem:v12+s10+$0x0] =	vst.idx.add.f32.msk $0xffff, v8  }
0x95: {  	s8 =	sand.u32 $0x7F, s8;
	[tilespmem:v14+s10+$0x0] =	vst.idx.add.f32.msk $0xffff, v10  }
0x96: {  	s28 =	simm.s32 $0x5;
	v8 =	vor.u32 s8, v0;
	[tilespmem:v15+s10+$0x0] =	vst.idx.add.f32.msk $0xffff, v11  }
0x97: {  	v10 =	vmov s28;
	[tilespmem:v9+s10+$0x0] =	vst.idx.add.f32.msk $0xffff, v13;
	v9 =	vor.u32 s8, v1  }
0x98: {  	v11 =	vor.u32 s8, v2;
	v12 =	vshll.u32 v10, $0x3;
	_ =	swait.ge [sflag:s29], $0x2000  }
0x99: {  	v10 =	vand.u32 $0x7D, v10;
	v13 =	vor.u32 s8, v3;
	v12 =	vand.u32 $0x400, v12;
	[sflag:s29] =	ssyncset.done $0x0  }
0x9a: {  	s23 =	simm.s32 $0xA180;
	v10 =	vor.u32 v10, v12;
	[sflag:s29] =	ssyncadd.s32 $0xFFFFE000  }
0x9b: {  	v12 =	vor.u32 v4, v10;
	v8 =	vld.idx.msk [tilespmem:v8+s23+$0x0], $0xffff  }
0x9c: {  	v14 =	vor.u32 v5, v10;
	v9 =	vld.idx.msk [tilespmem:v9+s23+$0x0], $0xffff  }
0x9d: {  	s6 =	sand.u32 @!p0 $0xFFFFF80, s6;
	v15 =	vor.u32 v6, v10;
	v11 =	vld.idx.msk [tilespmem:v11+s23+$0x0], $0xffff  }
0x9e: {  	s6 =	sadd.s32 @!p0 s0, s6;
	s8 =	simm.s32 @!p0 $0xA180;
	v10 =	vor.u32 v7, v10;
	v13 =	vld.idx.msk [tilespmem:v13+s23+$0x0], $0xffff  }
0x9f: {  	[tilespmem:s8], [sflag:$0x6] =	stream.strided.gather @!p0 [hbm4b:s6+s3], $0x2000, s2, s3, $0x38;
	[tilespmem:$0x14180] =	vst v63  }
0xa0: {  	[tilespmem:v12+s10+$0x0] =	vst.idx.add.f32.msk $0xffff, v8  }
0xa1: {  	s5 =	sand.u32 $0x7F, s5;
	[tilespmem:v14+s10+$0x0] =	vst.idx.add.f32.msk $0xffff, v9  }
0xa2: {  	v8 =	vor.u32 s5, v0;
	[tilespmem:v15+s10+$0x0] =	vst.idx.add.f32.msk $0xffff, v11  }
0xa3: {  	s15 =	simm.s32 $0x7;
	s30 =	simm.s32 $0x6;
	v9 =	vor.u32 s5, v1;
	[tilespmem:v10+s10+$0x0] =	vst.idx.add.f32.msk $0xffff, v13  }
0xa4: {  	v11 =	vmov s30;
	v10 =	vor.u32 s5, v2;
	_ =	swait.ge [sflag:s15], $0x2000  }
0xa5: {  	v13 =	vor.u32 s5, v3;
	v12 =	vshll.u32 v11, $0x3;
	[sflag:s15] =	ssyncset.done $0x0  }
0xa6: {  	s1 =	sand.u32 @!p0 $0xFFFFF80, s1;
	v11 =	vand.u32 $0x7E, v11;
	v12 =	vand.u32 $0x400, v12;
	[sflag:s15] =	ssyncadd.s32 $0xFFFFE000  }
0xa7: {  	s22 =	sadd.s32 @!p0 s0, s1;
	s1 =	sand.u32 @!p0 $0xFFFFF80, s7;
	v15 =	vor.u32 v11, v12;
	v8 =	vld.idx.msk [tilespmem:v8+s20+$0x0], $0xffff  }
0xa8: {  	s16 =	simm.s32 $0x2180;
	s17 =	simm.s32 $0x4180;
	s18 =	simm.s32 $0x6180;
	v12 =	vor.u32 v4, v15;
	v9 =	vld.idx.msk [tilespmem:v9+s20+$0x0], $0xffff  }
0xa9: {  	s11 =	sand.u32 $0x7F, s4;
	s4 =	simm.s32 $0x8;
	s9 =	simm.s32 $0x7;
	v14 =	vor.u32 v5, v15;
	v11 =	vld.idx.msk [tilespmem:v10+s20+$0x0], $0xffff  }
0xaa: {  	s8 =	simm.s32 $0xF;
	s6 =	sadd.s32 @!p0 s0, s1;
	s5 =	simm.s32 @!p0 $0xC180;
	v10 =	vor.u32 v7, v15;
	v13 =	vld.idx.msk [tilespmem:v13+s20+$0x0], $0xffff;
	v15 =	vor.u32 v6, v15  }
.LBB2_2:
0xab: {  	s4 =	sadd.s32 $0x8, s4;
	s1 =	smov.u32 s8;
	s8 =	sadd.s32 $0x8, s8  }
0xac: {  	[tilespmem:s5], [sflag:$0x7] =	stream.strided.gather @!p0 [hbm4b:s22+s3], $0x2000, s2, s3, $0x38;
	[tilespmem:$0x14180] =	vst v63  }
0xad: {  	p1 =	sne.s32 s8, $0x107;
	[tilespmem:v12+s10+$0x0] =	vst.idx.add.f32.msk $0xffff, v8  }
0xae: {  	[tilespmem:v14+s10+$0x0] =	vst.idx.add.f32.msk $0xffff, v9  }
0xaf: {  	v8 =	vor.u32 s11, v0;
	[tilespmem:v15+s10+$0x0] =	vst.idx.add.f32.msk $0xffff, v11  }
0xb0: {  	s5 =	simm.s32 $0x8;
	v9 =	vor.u32 s11, v1;
	[tilespmem:v10+s10+$0x0] =	vst.idx.add.f32.msk $0xffff, v13  }
0xb1: {  	v11 =	vor.u32 s11, v2;
	v10 =	vmov s9;
	s9 =	smov.u32 s1;
	_ =	swait.ge [sflag:s5], $0x2000  }
0xb2: {  	v12 =	vor.u32 s11, v3;
	v13 =	vshll.u32 v10, $0x3;
	[sflag:s5] =	ssyncset.done $0x0  }
0xb3: {  	v10 =	vand.u32 $0x7F, v10;
	v13 =	vand.u32 $0x400, v13;
	[sflag:s5] =	ssyncadd.s32 $0xFFFFE000  }
0xb4: {  	v10 =	vor.u32 v10, v13;
	v8 =	vld.idx.msk [tilespmem:v8+s21+$0x0], $0xffff  }
0xb5: {  	v13 =	vor.u32 v4, v10;
	v9 =	vld.idx.msk [tilespmem:v9+s21+$0x0], $0xffff  }
0xb6: {  	v14 =	vor.u32 v5, v10;
	v11 =	vld.idx.msk [tilespmem:v11+s21+$0x0], $0xffff  }
0xb7: {  	s1 =	simm.s32 @!p0 $0xE180;
	v15 =	vor.u32 v6, v10;
	v12 =	vld.idx.msk [tilespmem:v12+s21+$0x0], $0xffff  }
0xb8: {  	v10 =	vor.u32 v7, v10;
	[tilespmem:s1], [sflag:$0x8] =	stream.strided.gather @!p0 [hbm4b:s6+s3], $0x2000, s2, s3, $0x38;
	[tilespmem:$0x14180] =	vst v63  }
0xb9: {  	_ = 	snop  }
0xba: {  	[tilespmem:v13+s10+$0x0] =	vst.idx.add.f32.msk $0xffff, v8  }
0xbb: {  	[tilespmem:v14+s10+$0x0] =	vst.idx.add.f32.msk $0xffff, v9  }
0xbc: {  	[tilespmem:v15+s10+$0x0] =	vst.idx.add.f32.msk $0xffff, v11  }
0xbd: {  	[tilespmem:v10+s10+$0x0] =	vst.idx.add.f32.msk $0xffff, v12;
	_ =	sdelay $0x2  }
0xbe: {  	v8 =	vld [tilespmem:s4+$0xFFFFFFF8]  }
0xbf: {  	v9 =	vld [tilespmem:s4+$0x0];
	_ =	sdelay $0x3  }
0xc0: {  	p0 =	seq.s32 s9, $0xFF;
	(v2sf) =	vpush v8, $0x0  }
0xc1: {  	s5 =	simm.s32 @!p0 $0xC180;
	(v2sf) =	vpush @!p0 v9, $0x0  }
0xc2: {  	(v2sf) =	vpush v8, $0x1  }
0xc3: {  	(v2sf) =	vpush @!p0 v9, $0x1  }
0xc4: {  	(v2sf) =	vpush v8, $0x2  }
0xc5: {  	(v2sf) =	vpush @!p0 v9, $0x2  }
0xc6: {  	(v2sf) =	vpush v8, $0x3  }
0xc7: {  	(v2sf) =	vpush @!p0 v9, $0x3  }
0xc8: {  	(v2sf) =	vpush v8, $0x4  }
0xc9: {  	(v2sf) =	vpush @!p0 v9, $0x4  }
0xca: {  	(v2sf) =	vpush v8, $0x5;
	_ =	sdelay $0x2  }
0xcb: {  	(v2sf) =	vpush @!p0 v9, $0x5  }
0xcc: {  	(v2sf) =	vpush v8, $0x6  }
0xcd: {  	s1 =	spop (v2sf);
	(v2sf) =	vpush @!p0 v9, $0x6  }
0xce: {  	s1 =	sand.u32 $0x7F, s1;
	s2 =	spop @!p0 (v2sf);
	(v2sf) =	vpush v8, $0x7  }
0xcf: {  	v8 =	vor.u32 s1, v0;
	v10 =	vor.u32 s1, v1;
	v11 =	vor.u32 s1, v2;
	s3 =	sand.u32 @!p0 $0xFFFFF80, s2;
	s2 =	spop (v2sf)  }
0xd0: {  	s7 =	sadd.s32 $0xFFFFFFF9, s9;
	v12 =	vor.u32 s1, v3;
	s6 =	sand.u32 $0x7F, s2;
	s1 =	spop @!p0 (v2sf);
	(v2sf) =	vpush @!p0 v9, $0x7  }
0xd1: {  	_ =	swait.ge [sflag:s25], $0x2000  }
0xd2: {  	v9 =	vmov s7;
	s29 =	sand.u32 @!p0 $0xFFFFF80, s1;
	s1 =	spop (v2sf)  }
0xd3: {  	v13 =	vshll.u32 v9, $0x3;
	[sflag:s25] =	ssyncset.done $0x0;
	s28 =	sand.u32 $0x7F, s1;
	s1 =	spop @!p0 (v2sf)  }
0xd4: {  	v9 =	vand.u32 $0x78, v9;
	v13 =	vand.u32 $0x400, v13;
	[sflag:s25] =	ssyncadd.s32 $0xFFFFE000;
	s1 =	sand.u32 @!p0 $0xFFFFF80, s1;
	s2 =	spop (v2sf)  }
0xd5: {  	v9 =	vor.u32 v9, v13;
	v8 =	vld.idx.msk [tilespmem:v8+s14+$0x0], $0xffff;
	s26 =	sadd.s32 @!p0 s0, s1;
	s25 =	sand.u32 $0x7F, s2;
	s1 =	spop @!p0 (v2sf)  }
0xd6: {  	v13 =	vor.u32 v4, v9;
	v10 =	vld.idx.msk [tilespmem:v10+s14+$0x0], $0xffff;
	s1 =	sand.u32 @!p0 $0xFFFFF80, s1;
	s2 =	spop (v2sf)  }
0xd7: {  	v14 =	vor.u32 v5, v9;
	v11 =	vld.idx.msk [tilespmem:v11+s14+$0x0], $0xffff;
	s24 =	sadd.s32 @!p0 s0, s1;
	s23 =	sand.u32 $0x7F, s2;
	s1 =	spop @!p0 (v2sf)  }
0xd8: {  	v15 =	vor.u32 v6, v9;
	s2 =	simm.s32 @!p0 $0x7A1400;
	v12 =	vld.idx.msk [tilespmem:v12+s14+$0x0], $0xffff;
	s1 =	sand.u32 @!p0 $0xFFFFF80, s1;
	s7 =	spop (v2sf)  }
0xd9: {  	s12 =	simm.s32 @!p0 $0x180;
	s11 =	sadd.s32 @!p0 s0, s3;
	s3 =	simm.s32 @!p0 $0x400;
	v9 =	vor.u32 v7, v9  }
0xda: {  	[tilespmem:s12], [sflag:$0x1] =	stream.strided.gather @!p0 [hbm4b:s11+s3], $0x2000, s2, s3, $0x38;
	[tilespmem:$0x14180] =	vst v63  }
0xdb: {  	s1 =	sadd.s32 @!p0 s0, s1;
	s13 =	sand.u32 $0x7F, s7;
	[tilespmem:v13+s10+$0x0] =	vst.idx.add.f32.msk $0xffff, v8;
	s7 =	spop @!p0 (v2sf)  }
0xdc: {  	[tilespmem:v14+s10+$0x0] =	vst.idx.add.f32.msk $0xffff, v10;
	s7 =	sand.u32 @!p0 $0xFFFFF80, s7;
	s11 =	spop (v2sf)  }
0xdd: {  	v8 =	vor.u32 s6, v1;
	[tilespmem:v15+s10+$0x0] =	vst.idx.add.f32.msk $0xffff, v11;
	s12 =	sadd.s32 @!p0 s0, s7;
	s7 =	sand.u32 $0x7F, s11;
	s11 =	spop @!p0 (v2sf)  }
0xde: {  	s14 =	simm.s32 $0x2;
	[tilespmem:v9+s10+$0x0] =	vst.idx.add.f32.msk $0xffff, v12;
	v9 =	vor.u32 s6, v0;
	s11 =	sand.u32 @!p0 $0xFFFFF80, s11;
	s30 =	spop (v2sf)  }
0xdf: {  	v10 =	vor.u32 s6, v3;
	_ =	swait.ge [sflag:s31], $0x2000;
	s31 =	sadd.s32 $0xFFFFFFFA, s9;
	s22 =	sadd.s32 @!p0 s0, s11  }
0xe0: {  	s11 =	sand.u32 $0x7F, s30;
	[sflag:s14] =	ssyncset.done $0x0  }
0xe1: {  	v12 =	vor.u32 s6, v2;
	s14 =	simm.s32 $0x180;
	v11 =	vmov s31;
	s31 =	simm.s32 $0x2;
	s6 =	spop @!p0 (v2sf)  }
0xe2: {  	[sflag:s31] =	ssyncadd.s32 $0xFFFFE000;
	v13 =	vshll.u32 v11, $0x3;
	s6 =	sand.u32 @!p0 $0xFFFFF80, s6  }
0xe3: {  	v11 =	vand.u32 $0x79, v11;
	v8 =	vld.idx.msk [tilespmem:v8+s16+$0x0], $0xffff;
	v13 =	vand.u32 $0x400, v13;
	s6 =	sadd.s32 @!p0 s0, s6  }
0xe4: {  	v9 =	vld.idx.msk [tilespmem:v9+s16+$0x0], $0xffff;
	v11 =	vor.u32 v11, v13  }
0xe5: {  	v10 =	vld.idx.msk [tilespmem:v10+s16+$0x0], $0xffff;
	v13 =	vor.u32 v4, v11  }
0xe6: {  	s29 =	sadd.s32 @!p0 s0, s29;
	s30 =	simm.s32 @!p0 $0x2180;
	v14 =	vor.u32 v5, v11;
	v12 =	vld.idx.msk [tilespmem:v12+s16+$0x0], $0xffff  }
0xe7: {  	[tilespmem:s30], [sflag:$0x2] =	stream.strided.gather @!p0 [hbm4b:s29+s3], $0x2000, s2, s3, $0x38;
	[tilespmem:$0x14180] =	vst v63  }
0xe8: {  	v15 =	vor.u32 v6, v11;
	s30 =	simm.s32 $0x3  }
0xe9: {  	v11 =	vor.u32 v7, v11;
	_ =	sdelay $0x1  }
0xea: {  	[tilespmem:v13+s10+$0x0] =	vst.idx.add.f32.msk $0xffff, v9  }
0xeb: {  	[tilespmem:v14+s10+$0x0] =	vst.idx.add.f32.msk $0xffff, v8  }
0xec: {  	v8 =	vor.u32 s28, v0;
	[tilespmem:v15+s10+$0x0] =	vst.idx.add.f32.msk $0xffff, v12  }
0xed: {  	s29 =	sadd.s32 $0xFFFFFFFB, s9;
	v9 =	vor.u32 s28, v1;
	[tilespmem:v11+s10+$0x0] =	vst.idx.add.f32.msk $0xffff, v10  }
0xee: {  	v10 =	vmov s29;
	s29 =	simm.s32 $0x6;
	v11 =	vor.u32 s28, v2;
	_ =	swait.ge [sflag:s30], $0x2000  }
0xef: {  	v12 =	vor.u32 s28, v3;
	v13 =	vshll.u32 v10, $0x3;
	[sflag:s30] =	ssyncset.done $0x0  }
0xf0: {  	v10 =	vand.u32 $0x7A, v10;
	v13 =	vand.u32 $0x400, v13;
	[sflag:s30] =	ssyncadd.s32 $0xFFFFE000  }
0xf1: {  	v10 =	vor.u32 v10, v13;
	v8 =	vld.idx.msk [tilespmem:v8+s17+$0x0], $0xffff  }
0xf2: {  	v13 =	vor.u32 v4, v10;
	v9 =	vld.idx.msk [tilespmem:v9+s17+$0x0], $0xffff  }
0xf3: {  	v14 =	vor.u32 v5, v10;
	v11 =	vld.idx.msk [tilespmem:v11+s17+$0x0], $0xffff  }
0xf4: {  	s28 =	simm.s32 @!p0 $0x4180;
	v15 =	vor.u32 v6, v10;
	v12 =	vld.idx.msk [tilespmem:v12+s17+$0x0], $0xffff  }
0xf5: {  	[tilespmem:s28], [sflag:$0x3] =	stream.strided.gather @!p0 [hbm4b:s26+s3], $0x2000, s2, s3, $0x38;
	[tilespmem:$0x14180] =	vst v63  }
0xf6: {  	v10 =	vor.u32 v7, v10;
	s28 =	simm.s32 $0x4;
	_ =	sdelay $0x1  }
0xf7: {  	[tilespmem:v13+s10+$0x0] =	vst.idx.add.f32.msk $0xffff, v8  }
0xf8: {  	[tilespmem:v14+s10+$0x0] =	vst.idx.add.f32.msk $0xffff, v9  }
0xf9: {  	v8 =	vor.u32 s25, v0;
	[tilespmem:v15+s10+$0x0] =	vst.idx.add.f32.msk $0xffff, v11  }
0xfa: {  	s26 =	sadd.s32 $0xFFFFFFFC, s9;
	v9 =	vor.u32 s25, v1;
	[tilespmem:v10+s10+$0x0] =	vst.idx.add.f32.msk $0xffff, v12  }
0xfb: {  	v11 =	vor.u32 s25, v2;
	v10 =	vmov s26;
	s26 =	simm.s32 $0x5;
	_ =	swait.ge [sflag:s28], $0x2000  }
0xfc: {  	v12 =	vor.u32 s25, v3;
	v13 =	vshll.u32 v10, $0x3;
	[sflag:s28] =	ssyncset.done $0x0  }
0xfd: {  	v10 =	vand.u32 $0x7B, v10;
	v13 =	vand.u32 $0x400, v13;
	[sflag:s28] =	ssyncadd.s32 $0xFFFFE000  }
0xfe: {  	v10 =	vor.u32 v10, v13;
	v8 =	vld.idx.msk [tilespmem:v8+s18+$0x0], $0xffff  }
0xff: {  	v13 =	vor.u32 v4, v10;
	v9 =	vld.idx.msk [tilespmem:v9+s18+$0x0], $0xffff  }
0x100: {  	v14 =	vor.u32 v5, v10;
	v11 =	vld.idx.msk [tilespmem:v11+s18+$0x0], $0xffff  }
0x101: {  	s25 =	simm.s32 @!p0 $0x6180;
	v15 =	vor.u32 v6, v10;
	v12 =	vld.idx.msk [tilespmem:v12+s18+$0x0], $0xffff  }
0x102: {  	[tilespmem:s25], [sflag:$0x4] =	stream.strided.gather @!p0 [hbm4b:s24+s3], $0x2000, s2, s3, $0x38;
	[tilespmem:$0x14180] =	vst v63  }
0x103: {  	v10 =	vor.u32 v7, v10;
	s25 =	simm.s32 $0x1;
	_ =	sdelay $0x1  }
0x104: {  	[tilespmem:v13+s10+$0x0] =	vst.idx.add.f32.msk $0xffff, v8  }
0x105: {  	[tilespmem:v14+s10+$0x0] =	vst.idx.add.f32.msk $0xffff, v9  }
0x106: {  	v8 =	vor.u32 s23, v0;
	[tilespmem:v15+s10+$0x0] =	vst.idx.add.f32.msk $0xffff, v11  }
0x107: {  	s24 =	sadd.s32 $0xFFFFFFFD, s9;
	v9 =	vor.u32 s23, v1;
	[tilespmem:v10+s10+$0x0] =	vst.idx.add.f32.msk $0xffff, v12  }
0x108: {  	v11 =	vor.u32 s23, v2;
	v10 =	vmov s24;
	_ =	swait.ge [sflag:s26], $0x2000  }
0x109: {  	v12 =	vor.u32 s23, v3;
	v13 =	vshll.u32 v10, $0x3;
	[sflag:s26] =	ssyncset.done $0x0  }
0x10a: {  	v10 =	vand.u32 $0x7C, v10;
	v13 =	vand.u32 $0x400, v13;
	[sflag:s26] =	ssyncadd.s32 $0xFFFFE000  }
0x10b: {  	v10 =	vor.u32 v10, v13;
	v8 =	vld.idx.msk [tilespmem:v8+s19+$0x0], $0xffff  }
0x10c: {  	v13 =	vor.u32 v4, v10;
	v9 =	vld.idx.msk [tilespmem:v9+s19+$0x0], $0xffff  }
0x10d: {  	v14 =	vor.u32 v5, v10;
	v11 =	vld.idx.msk [tilespmem:v11+s19+$0x0], $0xffff  }
0x10e: {  	s23 =	simm.s32 @!p0 $0x8180;
	v15 =	vor.u32 v6, v10;
	v12 =	vld.idx.msk [tilespmem:v12+s19+$0x0], $0xffff  }
0x10f: {  	v10 =	vor.u32 v7, v10;
	[tilespmem:s23], [sflag:$0x5] =	stream.strided.gather @!p0 [hbm4b:s1+s3], $0x2000, s2, s3, $0x38;
	[tilespmem:$0x14180] =	vst v63  }
0x110: {  	_ = 	snop  }
0x111: {  	[tilespmem:v13+s10+$0x0] =	vst.idx.add.f32.msk $0xffff, v8  }
0x112: {  	[tilespmem:v14+s10+$0x0] =	vst.idx.add.f32.msk $0xffff, v9  }
0x113: {  	v8 =	vor.u32 s13, v0;
	[tilespmem:v15+s10+$0x0] =	vst.idx.add.f32.msk $0xffff, v11  }
0x114: {  	s1 =	sadd.s32 $0xFFFFFFFE, s9;
	v9 =	vor.u32 s13, v1;
	[tilespmem:v10+s10+$0x0] =	vst.idx.add.f32.msk $0xffff, v12  }
0x115: {  	v11 =	vor.u32 s13, v2;
	v10 =	vmov s1;
	_ =	swait.ge [sflag:s29], $0x2000  }
0x116: {  	v12 =	vor.u32 s13, v3;
	s13 =	simm.s32 $0xA180;
	v13 =	vshll.u32 v10, $0x3;
	[sflag:s29] =	ssyncset.done $0x0  }
0x117: {  	v10 =	vand.u32 $0x7D, v10;
	v13 =	vand.u32 $0x400, v13;
	[sflag:s29] =	ssyncadd.s32 $0xFFFFE000  }
0x118: {  	v10 =	vor.u32 v10, v13;
	v8 =	vld.idx.msk [tilespmem:v8+s13+$0x0], $0xffff  }
0x119: {  	v13 =	vor.u32 v4, v10;
	v9 =	vld.idx.msk [tilespmem:v9+s13+$0x0], $0xffff  }
0x11a: {  	v14 =	vor.u32 v5, v10;
	v11 =	vld.idx.msk [tilespmem:v11+s13+$0x0], $0xffff  }
0x11b: {  	s1 =	simm.s32 @!p0 $0xA180;
	v15 =	vor.u32 v6, v10;
	v12 =	vld.idx.msk [tilespmem:v12+s13+$0x0], $0xffff  }
0x11c: {  	v10 =	vor.u32 v7, v10;
	[tilespmem:s1], [sflag:$0x6] =	stream.strided.gather @!p0 [hbm4b:s12+s3], $0x2000, s2, s3, $0x38;
	[tilespmem:$0x14180] =	vst v63  }
0x11d: {  	_ = 	snop  }
0x11e: {  	[tilespmem:v13+s10+$0x0] =	vst.idx.add.f32.msk $0xffff, v8  }
0x11f: {  	[tilespmem:v14+s10+$0x0] =	vst.idx.add.f32.msk $0xffff, v9  }
0x120: {  	v8 =	vor.u32 s7, v0;
	[tilespmem:v15+s10+$0x0] =	vst.idx.add.f32.msk $0xffff, v11  }
0x121: {  	s1 =	sadd.s32 $0xFFFFFFFF, s9;
	v9 =	vor.u32 s7, v1;
	[tilespmem:v10+s10+$0x0] =	vst.idx.add.f32.msk $0xffff, v12  }
0x122: {  	v11 =	vor.u32 s7, v2;
	v10 =	vmov s1;
	_ =	swait.ge [sflag:s15], $0x2000  }
0x123: {  	v13 =	vor.u32 s7, v3;
	v12 =	vshll.u32 v10, $0x3;
	[sflag:s15] =	ssyncset.done $0x0  }
.Ltmp0:
0x124: {  	v10 =	vand.u32 $0x7E, v10;
	v12 =	vand.u32 $0x400, v12;
	[sflag:s15] =	ssyncadd.s32 $0xFFFFE000;
	(pc) =	sbr.rel @p1 .LBB2_2-.Ltmp0, $4  }
0x125: {  	v15 =	vor.u32 v10, v12;
	v8 =	vld.idx.msk [tilespmem:v8+s20+$0x0], $0xffff  }
0x126: {  	v12 =	vor.u32 v4, v15;
	v10 =	vor.u32 v7, v15;
	v9 =	vld.idx.msk [tilespmem:v9+s20+$0x0], $0xffff  }
0x127: {  	v14 =	vor.u32 v5, v15;
	v11 =	vld.idx.msk [tilespmem:v11+s20+$0x0], $0xffff  }
0x128: {  	v15 =	vor.u32 v6, v15;
	v13 =	vld.idx.msk [tilespmem:v13+s20+$0x0], $0xffff  }
0x129: {  	_ =	sdelay $0x2  }
0x12a: {  	[tilespmem:s5], [sflag:$0x7] =	stream.strided.gather @!p0 [hbm4b:s22+s3], $0x2000, s2, s3, $0x38;
	[tilespmem:$0x14180] =	vst v63  }
0x12b: {  	[tilespmem:v12+s10+$0x0] =	vst.idx.add.f32.msk $0xffff, v8  }
0x12c: {  	[tilespmem:v14+s10+$0x0] =	vst.idx.add.f32.msk $0xffff, v9  }
0x12d: {  	v8 =	vor.u32 s11, v0;
	[tilespmem:v15+s10+$0x0] =	vst.idx.add.f32.msk $0xffff, v11  }
0x12e: {  	v57 =	vor.u32 s11, v1;
	v58 =	vmov s9;
	s1 =	simm.s32 $0x8;
	[tilespmem:v10+s10+$0x0] =	vst.idx.add.f32.msk $0xffff, v13  }
0x12f: {  	v59 =	vor.u32 s11, v2;
	v60 =	vshll.u32 v58, $0x3;
	_ =	swait.ge [sflag:s1], $0x2000  }
0x130: {  	v61 =	vor.u32 s11, v3;
	v12 =	vand.u32 $0x400, v60;
	v10 =	vand.u32 $0x7F, v58;
	[sflag:s1] =	ssyncset.done $0x0  }
0x131: {  	v10 =	vor.u32 v10, v12;
	[sflag:s1] =	ssyncadd.s32 $0xFFFFE000  }
0x132: {  	v12 =	vor.u32 v4, v10;
	v8 =	vld.idx.msk [tilespmem:v8+s21+$0x0], $0xffff  }
0x133: {  	v62 =	vor.u32 v5, v10;
	v9 =	vld.idx.msk [tilespmem:v57+s21+$0x0], $0xffff  }
0x134: {  	v63 =	vor.u32 v6, v10;
	v11 =	vld.idx.msk [tilespmem:v59+s21+$0x0], $0xffff  }
0x135: {  	v10 =	vor.u32 v7, v10;
	s1 =	simm.s32 @!p0 $0xE180;
	v13 =	vld.idx.msk [tilespmem:v61+s21+$0x0], $0xffff  }
0x136: {  	[tilespmem:s1], [sflag:$0x8] =	stream.strided.gather @!p0 [hbm4b:s6+s3], $0x2000, s2, s3, $0x38;
	[tilespmem:$0x14180] =	vst v63  }
0x137: {  	[tilespmem:v12+s10+$0x0] =	vst.idx.add.f32.msk $0xffff, v8  }
0x138: {  	[tilespmem:v62+s10+$0x0] =	vst.idx.add.f32.msk $0xffff, v9  }
0x139: {  	s5 =	simm.s32 $0x800;
	[tilespmem:v63+s10+$0x0] =	vst.idx.add.f32.msk $0xffff, v11  }
0x13a: {  	s22 =	rddreg [dreg:$0x7];
	s6 =	simm.s32 $0x4000;
	s3 =	simm.s32 $0xA;
	[tilespmem:v10+s10+$0x0] =	vst.idx.add.f32.msk $0xffff, v13  }
0x13b: {  	[hbm4b:s22+s5] =	stream.strided.scatter [tilespmem:s10], [sflag:$0xA], $0x4000, s6, s5, $0x38;
	[tilespmem:$0x14180] =	vst v63  }
0x13c: {  	_ =	swait.ge [sflag:s3], $0x4000  }
0x13d: {  	s23 =	rddreg [dreg:$0x9]  }
0x13e: {  	s24 =	rddreg [dreg:$0x8];
	s2 =	sadd.s32 $0x1, s23  }
0x13f: {  	p0 =	sne.s32 s2, s24  }
.Ltmp1:
0x140: {  	_ = 	snop;
	(pc) =	sbr.rel @p0 .LBB2_1-.Ltmp1, $3  }
0x141: {  	_ =	sdelay $0x1  }
0x142: {  	s15 =	simm.s32 $0x2180;
	s16 =	simm.s32 $0x4180;
	[sflag:s3] =	ssyncset.done $0x0  }
0x143: {  	s17 =	simm.s32 $0x6180;
	s18 =	simm.s32 $0x8180;
	[sflag:s3] =	ssyncadd.s32 $0xFFFFC000  }
0x144: {  	_ =	sfence.sel $0x180000  }
0x145: {  	[bflag:$0x0] =	sbarrier.arrive $0xFFFF  }
0x146: {  	_ =	strace $0x90000047  }
0x147: {  	s0 =	stileid.u32;
	[bflag:$0x2] =	sbarrier.arrive $0xFFFF  }
0x148: {  	p0 =	sne.s32 s0, $0x0;
	s0 =	rddreg [dreg:$0x4]  }
0x149: {  	s0 =	sadd.s32 @!p0 $0x100000, s0  }
0x14a: {  	[sflag:s0] =	ssyncadd.tile.s32 @!p0 $0x1;
	_ =	shalt  }
.Lfunc_end2:
_tile_overlayer_lowered:
.L_overlay_start_2:
0x14b: {  	(tag) =	ssettag $0x2  }
0x14c: {  	s0 =	rddreg [dreg:$0x0];
	s2 =	stileid.u32  }
0x14d: {  	s1 =	rddreg [dreg:$0x1];
	p0 =	sne.s32 s2, $0x0  }
0x14e: {  	s3 =	rddreg [dreg:$0x2];
	[bflag:$0x3] =	sbarrier.arrive $0xFFFF;
	s2 =	simm.s32 @!p0 $0x1C0A  }
0x14f: {  	[timem:s3], [sflag:s2] =	dma.local @!p0 [hbm:s0], s1  }
0x150: {  	s0 =	simm.s32 @!p0 $0xA  }
0x151: {  	_ =	swait.ge @!p0 [sflag:s0], s1  }
0x152: {  	s1 =	ssub.s32 @!p0 $0x0, s1;
	[sflag:s0] =	ssyncset.done @!p0 $0x0  }
0x153: {  	[sflag:s0] =	ssyncadd.s32 @!p0 s1  }
0x154: {  	[bflag:$0x3] =	sbarrier.arrive $0xFFFF  }
0x155: {  	_ =	shalt  }

</sc_bundles>
